<compile_context>
chip_gen: v7x
topology: tpu7x:2x2x1
jax: 0.10.2.dev20260603
libtpu: 0.0.44.dev20260713+nightly
codegen_flags: <defaults>
</compile_context>

<pallas_src>
import functools

import jax
import jax.numpy as jnp
from jax import lax
from jax.experimental import pallas as pl
from jax.experimental.pallas import tpu as pltpu
from jax.experimental.pallas import tpu_sc as plsc

_NC = 2
_NS = 16
_NW = _NC * _NS
_NBUF = 4


@functools.lru_cache(maxsize=None)
def _build(batch, hist, vocab, d):
    rows_per_tile = batch // _NW
    ch0 = (hist // 2) // 8 * 8
    ch1 = hist - ch0
    n_ch = rows_per_tile * 2
    mesh = plsc.VectorSubcoreMesh(core_axis_name="c", subcore_axis_name="s")

    def chunk(i, par):
        return i // 2, par * ch0, ch1 if par else ch0

    @functools.partial(
        pl.kernel,
        mesh=mesh,
        out_type=jax.ShapeDtypeStruct((batch, hist, d), jnp.float32),
        scratch_types=[
            pltpu.VMEM((rows_per_tile, hist), jnp.int32),
            pltpu.VMEM((_NBUF, ch1, d), jnp.float32),
            pltpu.SemaphoreType.DMA((_NBUF,)),
            pltpu.SemaphoreType.DMA((_NBUF,)),
        ],
        compiler_params=pltpu.CompilerParams(use_tc_tiling_on_sc=False),
    )
    def gather_kernel(x_hbm, table_hbm, out_hbm, xv, rows_v, gsem, osem):
        wid = lax.axis_index("s") * _NC + lax.axis_index("c")
        b0 = wid * rows_per_tile
        pltpu.sync_copy(x_hbm.at[pl.ds(b0, rows_per_tile)], xv)

        def gather_copy(i, b, par):
            r, h0, ln = chunk(i, par)
            return pltpu.make_async_copy(
                table_hbm.at[xv.at[r, pl.ds(h0, ln)]],
                rows_v.at[b, pl.ds(0, ln)], gsem.at[b])

        def out_copy(i, b, par):
            r, h0, ln = chunk(i, par)
            return pltpu.make_async_copy(
                rows_v.at[b, pl.ds(0, ln)],
                out_hbm.at[b0 + r, pl.ds(h0, ln), :], osem.at[b])

        gather_copy(0, 0, 0).start()
        gather_copy(1, 1, 1).start()
        for i in range(2):
            gather_copy(i, i, i % 2).wait()
            out_copy(i, i, i % 2).start()
            gather_copy(i + 2, i + 2, i % 2).start()

        def block(p, carry):
            i0 = 2 + p * _NBUF
            for dlt in range(_NBUF):
                i = i0 + dlt
                b = (2 + dlt) % _NBUF
                b2 = dlt % _NBUF
                par = dlt % 2
                gather_copy(i, b, par).wait()
                out_copy(i, b, par).start()
                out_copy(i - 2, b2, par).wait()
                gather_copy(i + 2, b2, par).start()
            return carry

        lax.fori_loop(0, (n_ch - 4) // _NBUF, block, 0)

        for i in range(n_ch - 2, n_ch):
            gather_copy(i, i % _NBUF, i % 2).wait()
            out_copy(i, i % _NBUF, i % 2).start()
        for i in range(n_ch - 4, n_ch):
            out_copy(i, i % _NBUF, i % 2).wait()

    return gather_kernel


def kernel(x, embedding):
    batch, hist = x.shape
    vocab, d = embedding.shape
    return _build(batch, hist, vocab, d)(x.astype(jnp.int32), embedding)

# --- scband reference (transcript-rebuilt; emitter-appended) ---
"""Pipeline reference for scband-embedding-layer-30580167148098 (READ-ONLY COPY).

The authoritative reference and input builder live on the scoring server;
editing this copy changes nothing except your own understanding.
"""

import jax, jax.numpy as jnp
import numpy as np

VOCAB = 1000000
DIM = 64
BATCH = 4096
HIST = 200

def setup_inputs(seed: int = 0) -> dict:
    key = jax.random.key(seed)
    k1, k2 = jax.random.split(key)
    x = jax.random.randint(k1, (BATCH, HIST), 0, VOCAB, dtype=jnp.int64 if jax.config.jax_enable_x64 else jnp.int32)
    # kaiming_uniform with a=sqrt(5) on (vocab, dim): bound = sqrt(6/((1+5)*fan_in)), fan_in=dim
    bound = np.sqrt(6.0 / (6.0 * DIM))
    embedding = jax.random.uniform(k2, (VOCAB, DIM), dtype=jnp.float32, minval=-bound, maxval=bound)
    return {"x": x, "embedding": embedding}

def reference(x, embedding):
    return embedding[x]

if __name__ == "__main__":
    import jax
    _d = setup_inputs()
    print(jax.jit(kernel)(*tuple(_d.values())))

</pallas_src>

<mosaic_0001>
#map = affine_map<(d0, d1) -> (0, 0)>
#map1 = affine_map<(d0, d1) -> (0, 0, 0)>
module attributes {stable_mosaic.version = 14 : i64} {
  func.func @gather_kernel(%arg0: i32, %arg1: i32, %arg2: memref<4096x200xi32, #tpu.memory_space<hbm>>, %arg3: memref<1000000x64xf32, #tpu.memory_space<hbm>>, %arg4: memref<4096x200x64xf32, #tpu.memory_space<hbm>>, %arg5: memref<128x200xi32, #tpu.memory_space<vmem>>, %arg6: memref<4x104x64xf32, #tpu.memory_space<vmem>>, %arg7: memref<4x!tpu.dma_semaphore, #tpu.memory_space<semaphore_mem>>, %arg8: memref<4x!tpu.dma_semaphore, #tpu.memory_space<semaphore_mem>>) attributes {dimension_semantics = [#tpu.dimension_semantics<core_parallel>, #tpu.dimension_semantics<subcore_parallel>], iteration_bounds = array<i64: 2, 16>, scalar_prefetch = 0 : i64, scratch_operands = 4 : i64, tpu.core_type = #tpu.core_type<sc_vector_subcore>, window_params = [{transform_indices = #map}, {transform_indices = #map}, {transform_indices = #map1}]} {
    %mul3A = arith.constant 2 : i32
    %mul3A_0 = arith.muli %arg1, %mul3A : i32
    %add3A = arith.addi %mul3A_0, %arg0 : i32
    %mul3A_1 = arith.constant 128 : i32
    %mul3A_2 = arith.muli %add3A, %mul3A_1 : i32
    "tpu.region"() ({
      %run_scoped3A = tpu.sem_alloc : memref<!tpu.dma_semaphore, #tpu.memory_space<semaphore_mem>>
      %dma_start3A_302 = arith.constant 0 : i32
      %dma_start3A_303 = tpu.memref_slice %arg2[%mul3A_2, %dma_start3A_302] : memref<4096x200xi32, #tpu.memory_space<hbm>> -> memref<128x200xi32, #tpu.memory_space<hbm>>
      %dma_start3A_304 = arith.constant 0 : i32
      %dma_start3A_305 = tpu.memref_slice %arg2[%mul3A_2, %dma_start3A_304] : memref<4096x200xi32, #tpu.memory_space<hbm>> -> memref<128x200xi32, #tpu.memory_space<hbm>>
      tpu.enqueue_dma source(%dma_start3A_305 : memref<128x200xi32, #tpu.memory_space<hbm>>) target(%arg5 : memref<128x200xi32, #tpu.memory_space<vmem>>) target_semaphore(%run_scoped3A : memref<!tpu.dma_semaphore, #tpu.memory_space<semaphore_mem>>)
      %dma_wait3A_306 = arith.constant 0 : i32
      %dma_wait3A_307 = tpu.memref_slice %arg2[%mul3A_2, %dma_wait3A_306] : memref<4096x200xi32, #tpu.memory_space<hbm>> -> memref<128x200xi32, #tpu.memory_space<hbm>>
      %dma_wait3A_308 = arith.constant 0 : i32
      %dma_wait3A_309 = tpu.memref_slice %arg2[%mul3A_2, %dma_wait3A_308] : memref<4096x200xi32, #tpu.memory_space<hbm>> -> memref<128x200xi32, #tpu.memory_space<hbm>>
      tpu.wait_dma2 semaphore(%run_scoped3A : memref<!tpu.dma_semaphore, #tpu.memory_space<semaphore_mem>>) src(%dma_wait3A_309 : memref<128x200xi32, #tpu.memory_space<hbm>>) dst(%arg5 : memref<128x200xi32, #tpu.memory_space<vmem>>)
      tpu.yield
    }) : () -> ()
    %dma_start3A = arith.constant 0 : i32
    %dma_start3A_3 = arith.constant 0 : i32
    %dma_start3A_4 = arith.constant 0 : i32
    %dma_start3A_5 = arith.constant 0 : i32
    %dma_start3A_6 = arith.constant 0 : i32
    %dma_start3A_7 = tpu.memref_slice %arg6[%dma_start3A_3, %dma_start3A_5, %dma_start3A_6] : memref<4x104x64xf32, #tpu.memory_space<vmem>> -> memref<1x96x64xf32, #tpu.memory_space<vmem>>
    %dma_start3A_8 = tpu.memref_squeeze %dma_start3A_7 : memref<1x96x64xf32, #tpu.memory_space<vmem>> -> memref<96x64xf32, #tpu.memory_space<vmem>>
    %dma_start3A_9 = arith.constant 0 : i32
    %dma_start3A_10 = tpu.memref_slice %arg5[%dma_start3A, %dma_start3A_9] : memref<128x200xi32, #tpu.memory_space<vmem>> -> memref<1x96xi32, #tpu.memory_space<vmem>>
    %dma_start3A_11 = tpu.memref_squeeze %dma_start3A_10 : memref<1x96xi32, #tpu.memory_space<vmem>> -> memref<96xi32, #tpu.memory_space<vmem>>
    %dma_start3A_12 = arith.constant 0 : i32
    %dma_start3A_13 = arith.constant 0 : i32
    %dma_start3A_14 = tpu.memref_slice %arg3[%dma_start3A_12, %dma_start3A_13] : memref<1000000x64xf32, #tpu.memory_space<hbm>> -> memref<1000000x64xf32, #tpu.memory_space<hbm>>
    %dma_start3A_15 = tpu.memref_slice %arg7[%dma_start3A_4] : memref<4x!tpu.dma_semaphore, #tpu.memory_space<semaphore_mem>> -> memref<1x!tpu.dma_semaphore, #tpu.memory_space<semaphore_mem>>
    %dma_start3A_16 = tpu.memref_squeeze %dma_start3A_15 : memref<1x!tpu.dma_semaphore, #tpu.memory_space<semaphore_mem>> -> memref<!tpu.dma_semaphore, #tpu.memory_space<semaphore_mem>>
    tpu.enqueue_indirect_dma source(%dma_start3A_14 : memref<1000000x64xf32, #tpu.memory_space<hbm>>) target(%dma_start3A_8 : memref<96x64xf32, #tpu.memory_space<vmem>>) offsets(%dma_start3A_11 : memref<96xi32, #tpu.memory_space<vmem>>) semaphore(%dma_start3A_16 : memref<!tpu.dma_semaphore, #tpu.memory_space<semaphore_mem>>)
    %dma_start3A_17 = arith.constant 0 : i32
    %dma_start3A_18 = arith.constant 1 : i32
    %dma_start3A_19 = arith.constant 1 : i32
    %dma_start3A_20 = arith.constant 0 : i32
    %dma_start3A_21 = arith.constant 0 : i32
    %dma_start3A_22 = tpu.memref_slice %arg6[%dma_start3A_18, %dma_start3A_20, %dma_start3A_21] : memref<4x104x64xf32, #tpu.memory_space<vmem>> -> memref<1x104x64xf32, #tpu.memory_space<vmem>>
    %dma_start3A_23 = tpu.memref_squeeze %dma_start3A_22 : memref<1x104x64xf32, #tpu.memory_space<vmem>> -> memref<104x64xf32, #tpu.memory_space<vmem>>
    %dma_start3A_24 = arith.constant 96 : i32
    %dma_start3A_25 = tpu.memref_slice %arg5[%dma_start3A_17, %dma_start3A_24] : memref<128x200xi32, #tpu.memory_space<vmem>> -> memref<1x104xi32, #tpu.memory_space<vmem>>
    %dma_start3A_26 = tpu.memref_squeeze %dma_start3A_25 : memref<1x104xi32, #tpu.memory_space<vmem>> -> memref<104xi32, #tpu.memory_space<vmem>>
    %dma_start3A_27 = arith.constant 0 : i32
    %dma_start3A_28 = arith.constant 0 : i32
    %dma_start3A_29 = tpu.memref_slice %arg3[%dma_start3A_27, %dma_start3A_28] : memref<1000000x64xf32, #tpu.memory_space<hbm>> -> memref<1000000x64xf32, #tpu.memory_space<hbm>>
    %dma_start3A_30 = tpu.memref_slice %arg7[%dma_start3A_19] : memref<4x!tpu.dma_semaphore, #tpu.memory_space<semaphore_mem>> -> memref<1x!tpu.dma_semaphore, #tpu.memory_space<semaphore_mem>>
    %dma_start3A_31 = tpu.memref_squeeze %dma_start3A_30 : memref<1x!tpu.dma_semaphore, #tpu.memory_space<semaphore_mem>> -> memref<!tpu.dma_semaphore, #tpu.memory_space<semaphore_mem>>
    tpu.enqueue_indirect_dma source(%dma_start3A_29 : memref<1000000x64xf32, #tpu.memory_space<hbm>>) target(%dma_start3A_23 : memref<104x64xf32, #tpu.memory_space<vmem>>) offsets(%dma_start3A_26 : memref<104xi32, #tpu.memory_space<vmem>>) semaphore(%dma_start3A_31 : memref<!tpu.dma_semaphore, #tpu.memory_space<semaphore_mem>>)
    %dma_wait3A = arith.constant 0 : i32
    %dma_wait3A_32 = arith.constant 0 : i32
    %dma_wait3A_33 = arith.constant 0 : i32
    %dma_wait3A_34 = arith.constant 0 : i32
    %dma_wait3A_35 = arith.constant 0 : i32
    %dma_wait3A_36 = tpu.memref_slice %arg6[%dma_wait3A_32, %dma_wait3A_34, %dma_wait3A_35] : memref<4x104x64xf32, #tpu.memory_space<vmem>> -> memref<1x96x64xf32, #tpu.memory_space<vmem>>
    %dma_wait3A_37 = tpu.memref_squeeze %dma_wait3A_36 : memref<1x96x64xf32, #tpu.memory_space<vmem>> -> memref<96x64xf32, #tpu.memory_space<vmem>>
    %dma_wait3A_38 = arith.constant 0 : i32
    %dma_wait3A_39 = tpu.memref_slice %arg5[%dma_wait3A, %dma_wait3A_38] : memref<128x200xi32, #tpu.memory_space<vmem>> -> memref<1x96xi32, #tpu.memory_space<vmem>>
    %dma_wait3A_40 = tpu.memref_squeeze %dma_wait3A_39 : memref<1x96xi32, #tpu.memory_space<vmem>> -> memref<96xi32, #tpu.memory_space<vmem>>
    %dma_wait3A_41 = arith.constant 0 : i32
    %dma_wait3A_42 = arith.constant 0 : i32
    %dma_wait3A_43 = tpu.memref_slice %arg3[%dma_wait3A_41, %dma_wait3A_42] : memref<1000000x64xf32, #tpu.memory_space<hbm>> -> memref<1000000x64xf32, #tpu.memory_space<hbm>>
    %dma_wait3A_44 = tpu.memref_slice %arg7[%dma_wait3A_33] : memref<4x!tpu.dma_semaphore, #tpu.memory_space<semaphore_mem>> -> memref<1x!tpu.dma_semaphore, #tpu.memory_space<semaphore_mem>>
    %dma_wait3A_45 = tpu.memref_squeeze %dma_wait3A_44 : memref<1x!tpu.dma_semaphore, #tpu.memory_space<semaphore_mem>> -> memref<!tpu.dma_semaphore, #tpu.memory_space<semaphore_mem>>
    tpu.wait_indirect_dma semaphore(%dma_wait3A_45 : memref<!tpu.dma_semaphore, #tpu.memory_space<semaphore_mem>>) src(%dma_wait3A_43 : memref<1000000x64xf32, #tpu.memory_space<hbm>>) dst(%dma_wait3A_37 : memref<96x64xf32, #tpu.memory_space<vmem>>)
    %add3A_46 = arith.constant 0 : i32
    %add3A_47 = arith.addi %mul3A_2, %add3A_46 : i32
    %dma_start3A_48 = arith.constant 0 : i32
    %dma_start3A_49 = arith.constant 0 : i32
    %dma_start3A_50 = arith.constant 0 : i32
    %dma_start3A_51 = arith.constant 0 : i32
    %dma_start3A_52 = tpu.memref_slice %arg6[%dma_start3A_48, %dma_start3A_50, %dma_start3A_51] : memref<4x104x64xf32, #tpu.memory_space<vmem>> -> memref<1x96x64xf32, #tpu.memory_space<vmem>>
    %dma_start3A_53 = tpu.memref_squeeze %dma_start3A_52 : memref<1x96x64xf32, #tpu.memory_space<vmem>> -> memref<96x64xf32, #tpu.memory_space<vmem>>
    %dma_start3A_54 = arith.constant 0 : i32
    %dma_start3A_55 = arith.constant 0 : i32
    %dma_start3A_56 = tpu.memref_slice %arg4[%add3A_47, %dma_start3A_54, %dma_start3A_55] : memref<4096x200x64xf32, #tpu.memory_space<hbm>> -> memref<1x96x64xf32, #tpu.memory_space<hbm>>
    %dma_start3A_57 = tpu.memref_squeeze %dma_start3A_56 : memref<1x96x64xf32, #tpu.memory_space<hbm>> -> memref<96x64xf32, #tpu.memory_space<hbm>>
    %dma_start3A_58 = tpu.memref_slice %arg8[%dma_start3A_49] : memref<4x!tpu.dma_semaphore, #tpu.memory_space<semaphore_mem>> -> memref<1x!tpu.dma_semaphore, #tpu.memory_space<semaphore_mem>>
    %dma_start3A_59 = tpu.memref_squeeze %dma_start3A_58 : memref<1x!tpu.dma_semaphore, #tpu.memory_space<semaphore_mem>> -> memref<!tpu.dma_semaphore, #tpu.memory_space<semaphore_mem>>
    %dma_start3A_60 = arith.constant 0 : i32
    %dma_start3A_61 = arith.constant 0 : i32
    %dma_start3A_62 = tpu.memref_slice %arg4[%add3A_47, %dma_start3A_60, %dma_start3A_61] : memref<4096x200x64xf32, #tpu.memory_space<hbm>> -> memref<1x96x64xf32, #tpu.memory_space<hbm>>
    %dma_start3A_63 = tpu.memref_squeeze %dma_start3A_62 : memref<1x96x64xf32, #tpu.memory_space<hbm>> -> memref<96x64xf32, #tpu.memory_space<hbm>>
    %dma_start3A_64 = arith.constant 0 : i32
    %dma_start3A_65 = arith.constant 0 : i32
    %dma_start3A_66 = tpu.memref_slice %arg6[%dma_start3A_48, %dma_start3A_64, %dma_start3A_65] : memref<4x104x64xf32, #tpu.memory_space<vmem>> -> memref<1x96x64xf32, #tpu.memory_space<vmem>>
    %dma_start3A_67 = tpu.memref_squeeze %dma_start3A_66 : memref<1x96x64xf32, #tpu.memory_space<vmem>> -> memref<96x64xf32, #tpu.memory_space<vmem>>
    tpu.enqueue_dma source(%dma_start3A_67 : memref<96x64xf32, #tpu.memory_space<vmem>>) target(%dma_start3A_63 : memref<96x64xf32, #tpu.memory_space<hbm>>) target_semaphore(%dma_start3A_59 : memref<!tpu.dma_semaphore, #tpu.memory_space<semaphore_mem>>)
    %dma_start3A_68 = arith.constant 1 : i32
    %dma_start3A_69 = arith.constant 2 : i32
    %dma_start3A_70 = arith.constant 2 : i32
    %dma_start3A_71 = arith.constant 0 : i32
    %dma_start3A_72 = arith.constant 0 : i32
    %dma_start3A_73 = tpu.memref_slice %arg6[%dma_start3A_69, %dma_start3A_71, %dma_start3A_72] : memref<4x104x64xf32, #tpu.memory_space<vmem>> -> memref<1x96x64xf32, #tpu.memory_space<vmem>>
    %dma_start3A_74 = tpu.memref_squeeze %dma_start3A_73 : memref<1x96x64xf32, #tpu.memory_space<vmem>> -> memref<96x64xf32, #tpu.memory_space<vmem>>
    %dma_start3A_75 = arith.constant 0 : i32
    %dma_start3A_76 = tpu.memref_slice %arg5[%dma_start3A_68, %dma_start3A_75] : memref<128x200xi32, #tpu.memory_space<vmem>> -> memref<1x96xi32, #tpu.memory_space<vmem>>
    %dma_start3A_77 = tpu.memref_squeeze %dma_start3A_76 : memref<1x96xi32, #tpu.memory_space<vmem>> -> memref<96xi32, #tpu.memory_space<vmem>>
    %dma_start3A_78 = arith.constant 0 : i32
    %dma_start3A_79 = arith.constant 0 : i32
    %dma_start3A_80 = tpu.memref_slice %arg3[%dma_start3A_78, %dma_start3A_79] : memref<1000000x64xf32, #tpu.memory_space<hbm>> -> memref<1000000x64xf32, #tpu.memory_space<hbm>>
    %dma_start3A_81 = tpu.memref_slice %arg7[%dma_start3A_70] : memref<4x!tpu.dma_semaphore, #tpu.memory_space<semaphore_mem>> -> memref<1x!tpu.dma_semaphore, #tpu.memory_space<semaphore_mem>>
    %dma_start3A_82 = tpu.memref_squeeze %dma_start3A_81 : memref<1x!tpu.dma_semaphore, #tpu.memory_space<semaphore_mem>> -> memref<!tpu.dma_semaphore, #tpu.memory_space<semaphore_mem>>
    tpu.enqueue_indirect_dma source(%dma_start3A_80 : memref<1000000x64xf32, #tpu.memory_space<hbm>>) target(%dma_start3A_74 : memref<96x64xf32, #tpu.memory_space<vmem>>) offsets(%dma_start3A_77 : memref<96xi32, #tpu.memory_space<vmem>>) semaphore(%dma_start3A_82 : memref<!tpu.dma_semaphore, #tpu.memory_space<semaphore_mem>>)
    %dma_wait3A_83 = arith.constant 0 : i32
    %dma_wait3A_84 = arith.constant 1 : i32
    %dma_wait3A_85 = arith.constant 1 : i32
    %dma_wait3A_86 = arith.constant 0 : i32
    %dma_wait3A_87 = arith.constant 0 : i32
    %dma_wait3A_88 = tpu.memref_slice %arg6[%dma_wait3A_84, %dma_wait3A_86, %dma_wait3A_87] : memref<4x104x64xf32, #tpu.memory_space<vmem>> -> memref<1x104x64xf32, #tpu.memory_space<vmem>>
    %dma_wait3A_89 = tpu.memref_squeeze %dma_wait3A_88 : memref<1x104x64xf32, #tpu.memory_space<vmem>> -> memref<104x64xf32, #tpu.memory_space<vmem>>
    %dma_wait3A_90 = arith.constant 96 : i32
    %dma_wait3A_91 = tpu.memref_slice %arg5[%dma_wait3A_83, %dma_wait3A_90] : memref<128x200xi32, #tpu.memory_space<vmem>> -> memref<1x104xi32, #tpu.memory_space<vmem>>
    %dma_wait3A_92 = tpu.memref_squeeze %dma_wait3A_91 : memref<1x104xi32, #tpu.memory_space<vmem>> -> memref<104xi32, #tpu.memory_space<vmem>>
    %dma_wait3A_93 = arith.constant 0 : i32
    %dma_wait3A_94 = arith.constant 0 : i32
    %dma_wait3A_95 = tpu.memref_slice %arg3[%dma_wait3A_93, %dma_wait3A_94] : memref<1000000x64xf32, #tpu.memory_space<hbm>> -> memref<1000000x64xf32, #tpu.memory_space<hbm>>
    %dma_wait3A_96 = tpu.memref_slice %arg7[%dma_wait3A_85] : memref<4x!tpu.dma_semaphore, #tpu.memory_space<semaphore_mem>> -> memref<1x!tpu.dma_semaphore, #tpu.memory_space<semaphore_mem>>
    %dma_wait3A_97 = tpu.memref_squeeze %dma_wait3A_96 : memref<1x!tpu.dma_semaphore, #tpu.memory_space<semaphore_mem>> -> memref<!tpu.dma_semaphore, #tpu.memory_space<semaphore_mem>>
    tpu.wait_indirect_dma semaphore(%dma_wait3A_97 : memref<!tpu.dma_semaphore, #tpu.memory_space<semaphore_mem>>) src(%dma_wait3A_95 : memref<1000000x64xf32, #tpu.memory_space<hbm>>) dst(%dma_wait3A_89 : memref<104x64xf32, #tpu.memory_space<vmem>>)
    %add3A_98 = arith.constant 0 : i32
    %add3A_99 = arith.addi %mul3A_2, %add3A_98 : i32
    %dma_start3A_100 = arith.constant 1 : i32
    %dma_start3A_101 = arith.constant 1 : i32
    %dma_start3A_102 = arith.constant 0 : i32
    %dma_start3A_103 = arith.constant 0 : i32
    %dma_start3A_104 = tpu.memref_slice %arg6[%dma_start3A_100, %dma_start3A_102, %dma_start3A_103] : memref<4x104x64xf32, #tpu.memory_space<vmem>> -> memref<1x104x64xf32, #tpu.memory_space<vmem>>
    %dma_start3A_105 = tpu.memref_squeeze %dma_start3A_104 : memref<1x104x64xf32, #tpu.memory_space<vmem>> -> memref<104x64xf32, #tpu.memory_space<vmem>>
    %dma_start3A_106 = arith.constant 96 : i32
    %dma_start3A_107 = arith.constant 0 : i32
    %dma_start3A_108 = tpu.memref_slice %arg4[%add3A_99, %dma_start3A_106, %dma_start3A_107] : memref<4096x200x64xf32, #tpu.memory_space<hbm>> -> memref<1x104x64xf32, #tpu.memory_space<hbm>>
    %dma_start3A_109 = tpu.memref_squeeze %dma_start3A_108 : memref<1x104x64xf32, #tpu.memory_space<hbm>> -> memref<104x64xf32, #tpu.memory_space<hbm>>
    %dma_start3A_110 = tpu.memref_slice %arg8[%dma_start3A_101] : memref<4x!tpu.dma_semaphore, #tpu.memory_space<semaphore_mem>> -> memref<1x!tpu.dma_semaphore, #tpu.memory_space<semaphore_mem>>
    %dma_start3A_111 = tpu.memref_squeeze %dma_start3A_110 : memref<1x!tpu.dma_semaphore, #tpu.memory_space<semaphore_mem>> -> memref<!tpu.dma_semaphore, #tpu.memory_space<semaphore_mem>>
    %dma_start3A_112 = arith.constant 96 : i32
    %dma_start3A_113 = arith.constant 0 : i32
    %dma_start3A_114 = tpu.memref_slice %arg4[%add3A_99, %dma_start3A_112, %dma_start3A_113] : memref<4096x200x64xf32, #tpu.memory_space<hbm>> -> memref<1x104x64xf32, #tpu.memory_space<hbm>>
    %dma_start3A_115 = tpu.memref_squeeze %dma_start3A_114 : memref<1x104x64xf32, #tpu.memory_space<hbm>> -> memref<104x64xf32, #tpu.memory_space<hbm>>
    %dma_start3A_116 = arith.constant 0 : i32
    %dma_start3A_117 = arith.constant 0 : i32
    %dma_start3A_118 = tpu.memref_slice %arg6[%dma_start3A_100, %dma_start3A_116, %dma_start3A_117] : memref<4x104x64xf32, #tpu.memory_space<vmem>> -> memref<1x104x64xf32, #tpu.memory_space<vmem>>
    %dma_start3A_119 = tpu.memref_squeeze %dma_start3A_118 : memref<1x104x64xf32, #tpu.memory_space<vmem>> -> memref<104x64xf32, #tpu.memory_space<vmem>>
    tpu.enqueue_dma source(%dma_start3A_119 : memref<104x64xf32, #tpu.memory_space<vmem>>) target(%dma_start3A_115 : memref<104x64xf32, #tpu.memory_space<hbm>>) target_semaphore(%dma_start3A_111 : memref<!tpu.dma_semaphore, #tpu.memory_space<semaphore_mem>>)
    %dma_start3A_120 = arith.constant 1 : i32
    %dma_start3A_121 = arith.constant 3 : i32
    %dma_start3A_122 = arith.constant 3 : i32
    %dma_start3A_123 = arith.constant 0 : i32
    %dma_start3A_124 = arith.constant 0 : i32
    %dma_start3A_125 = tpu.memref_slice %arg6[%dma_start3A_121, %dma_start3A_123, %dma_start3A_124] : memref<4x104x64xf32, #tpu.memory_space<vmem>> -> memref<1x104x64xf32, #tpu.memory_space<vmem>>
    %dma_start3A_126 = tpu.memref_squeeze %dma_start3A_125 : memref<1x104x64xf32, #tpu.memory_space<vmem>> -> memref<104x64xf32, #tpu.memory_space<vmem>>
    %dma_start3A_127 = arith.constant 96 : i32
    %dma_start3A_128 = tpu.memref_slice %arg5[%dma_start3A_120, %dma_start3A_127] : memref<128x200xi32, #tpu.memory_space<vmem>> -> memref<1x104xi32, #tpu.memory_space<vmem>>
    %dma_start3A_129 = tpu.memref_squeeze %dma_start3A_128 : memref<1x104xi32, #tpu.memory_space<vmem>> -> memref<104xi32, #tpu.memory_space<vmem>>
    %dma_start3A_130 = arith.constant 0 : i32
    %dma_start3A_131 = arith.constant 0 : i32
    %dma_start3A_132 = tpu.memref_slice %arg3[%dma_start3A_130, %dma_start3A_131] : memref<1000000x64xf32, #tpu.memory_space<hbm>> -> memref<1000000x64xf32, #tpu.memory_space<hbm>>
    %dma_start3A_133 = tpu.memref_slice %arg7[%dma_start3A_122] : memref<4x!tpu.dma_semaphore, #tpu.memory_space<semaphore_mem>> -> memref<1x!tpu.dma_semaphore, #tpu.memory_space<semaphore_mem>>
    %dma_start3A_134 = tpu.memref_squeeze %dma_start3A_133 : memref<1x!tpu.dma_semaphore, #tpu.memory_space<semaphore_mem>> -> memref<!tpu.dma_semaphore, #tpu.memory_space<semaphore_mem>>
    tpu.enqueue_indirect_dma source(%dma_start3A_132 : memref<1000000x64xf32, #tpu.memory_space<hbm>>) target(%dma_start3A_126 : memref<104x64xf32, #tpu.memory_space<vmem>>) offsets(%dma_start3A_129 : memref<104xi32, #tpu.memory_space<vmem>>) semaphore(%dma_start3A_134 : memref<!tpu.dma_semaphore, #tpu.memory_space<semaphore_mem>>)
    %scan3A = arith.constant 0 : i32
    %scan3A_135 = arith.constant 0 : i32
    %scan3A_136 = arith.constant 63 : i32
    %scan3A_137 = arith.addi %scan3A_135, %scan3A_136 : i32
    %scan3A_138 = arith.constant 1 : i32
    scf.for %scan3A_302 = %scan3A_135 to %scan3A_137 step %scan3A_138  : i32 {
      %mul3A_303 = arith.constant 4 : i32
      %mul3A_304 = arith.muli %scan3A_302, %mul3A_303 : i32
      %add3A_305 = arith.constant 2 : i32
      %add3A_306 = arith.addi %add3A_305, %mul3A_304 : i32
      %add3A_307 = arith.constant 0 : i32
      %add3A_308 = arith.addi %add3A_306, %add3A_307 : i32
      %jit3A = arith.constant 2 : i32
      %div3A = arith.divsi %add3A_308, %jit3A : i32
      %sign3A = arith.constant 0 : i32
      %sign3A_309 = arith.cmpi sgt, %add3A_308, %sign3A : i32
      %sign3A_310 = arith.extui %sign3A_309 : i1 to i32
      %sign3A_311 = arith.constant 0 : i32
      %sign3A_312 = arith.cmpi slt, %add3A_308, %sign3A_311 : i32
      %sign3A_313 = arith.extui %sign3A_312 : i1 to i32
      %sign3A_314 = arith.subi %sign3A_310, %sign3A_313 : i32
      %sign3A_315 = arith.constant 0 : i32
      %sign3A_316 = arith.cmpi sgt, %jit3A, %sign3A_315 : i32
      %sign3A_317 = arith.extui %sign3A_316 : i1 to i32
      %sign3A_318 = arith.constant 0 : i32
      %sign3A_319 = arith.cmpi slt, %jit3A, %sign3A_318 : i32
      %sign3A_320 = arith.extui %sign3A_319 : i1 to i32
      %sign3A_321 = arith.subi %sign3A_317, %sign3A_320 : i32
      %ne3A = arith.cmpi ne, %sign3A_314, %sign3A_321 : i32
      %rem3A = arith.remsi %add3A_308, %jit3A : i32
      %ne3A_322 = arith.constant 0 : i32
      %ne3A_323 = arith.cmpi ne, %rem3A, %ne3A_322 : i32
      %and3A = arith.andi %ne3A, %ne3A_323 : i1
      %sub3A = arith.constant 1 : i32
      %sub3A_324 = arith.subi %div3A, %sub3A : i32
      %select_n3A = arith.select %and3A, %sub3A_324, %div3A : i32
      %dma_wait3A_325 = arith.constant 2 : i32
      %dma_wait3A_326 = arith.constant 2 : i32
      %dma_wait3A_327 = arith.constant 0 : i32
      %dma_wait3A_328 = arith.constant 0 : i32
      %dma_wait3A_329 = tpu.memref_slice %arg6[%dma_wait3A_325, %dma_wait3A_327, %dma_wait3A_328] : memref<4x104x64xf32, #tpu.memory_space<vmem>> -> memref<1x96x64xf32, #tpu.memory_space<vmem>>
      %dma_wait3A_330 = tpu.memref_squeeze %dma_wait3A_329 : memref<1x96x64xf32, #tpu.memory_space<vmem>> -> memref<96x64xf32, #tpu.memory_space<vmem>>
      %dma_wait3A_331 = arith.constant 0 : i32
      %dma_wait3A_332 = tpu.memref_slice %arg5[%select_n3A, %dma_wait3A_331] : memref<128x200xi32, #tpu.memory_space<vmem>> -> memref<1x96xi32, #tpu.memory_space<vmem>>
      %dma_wait3A_333 = tpu.memref_squeeze %dma_wait3A_332 : memref<1x96xi32, #tpu.memory_space<vmem>> -> memref<96xi32, #tpu.memory_space<vmem>>
      %dma_wait3A_334 = arith.constant 0 : i32
      %dma_wait3A_335 = arith.constant 0 : i32
      %dma_wait3A_336 = tpu.memref_slice %arg3[%dma_wait3A_334, %dma_wait3A_335] : memref<1000000x64xf32, #tpu.memory_space<hbm>> -> memref<1000000x64xf32, #tpu.memory_space<hbm>>
      %dma_wait3A_337 = tpu.memref_slice %arg7[%dma_wait3A_326] : memref<4x!tpu.dma_semaphore, #tpu.memory_space<semaphore_mem>> -> memref<1x!tpu.dma_semaphore, #tpu.memory_space<semaphore_mem>>
      %dma_wait3A_338 = tpu.memref_squeeze %dma_wait3A_337 : memref<1x!tpu.dma_semaphore, #tpu.memory_space<semaphore_mem>> -> memref<!tpu.dma_semaphore, #tpu.memory_space<semaphore_mem>>
      tpu.wait_indirect_dma semaphore(%dma_wait3A_338 : memref<!tpu.dma_semaphore, #tpu.memory_space<semaphore_mem>>) src(%dma_wait3A_336 : memref<1000000x64xf32, #tpu.memory_space<hbm>>) dst(%dma_wait3A_330 : memref<96x64xf32, #tpu.memory_space<vmem>>)
      %jit3A_339 = arith.constant 2 : i32
      %div3A_340 = arith.divsi %add3A_308, %jit3A_339 : i32
      %sign3A_341 = arith.constant 0 : i32
      %sign3A_342 = arith.cmpi sgt, %add3A_308, %sign3A_341 : i32
      %sign3A_343 = arith.extui %sign3A_342 : i1 to i32
      %sign3A_344 = arith.constant 0 : i32
      %sign3A_345 = arith.cmpi slt, %add3A_308, %sign3A_344 : i32
      %sign3A_346 = arith.extui %sign3A_345 : i1 to i32
      %sign3A_347 = arith.subi %sign3A_343, %sign3A_346 : i32
      %sign3A_348 = arith.constant 0 : i32
      %sign3A_349 = arith.cmpi sgt, %jit3A_339, %sign3A_348 : i32
      %sign3A_350 = arith.extui %sign3A_349 : i1 to i32
      %sign3A_351 = arith.constant 0 : i32
      %sign3A_352 = arith.cmpi slt, %jit3A_339, %sign3A_351 : i32
      %sign3A_353 = arith.extui %sign3A_352 : i1 to i32
      %sign3A_354 = arith.subi %sign3A_350, %sign3A_353 : i32
      %ne3A_355 = arith.cmpi ne, %sign3A_347, %sign3A_354 : i32
      %rem3A_356 = arith.remsi %add3A_308, %jit3A_339 : i32
      %ne3A_357 = arith.constant 0 : i32
      %ne3A_358 = arith.cmpi ne, %rem3A_356, %ne3A_357 : i32
      %and3A_359 = arith.andi %ne3A_355, %ne3A_358 : i1
      %sub3A_360 = arith.constant 1 : i32
      %sub3A_361 = arith.subi %div3A_340, %sub3A_360 : i32
      %select_n3A_362 = arith.select %and3A_359, %sub3A_361, %div3A_340 : i32
      %add3A_363 = arith.addi %mul3A_2, %select_n3A_362 : i32
      %dma_start3A_364 = arith.constant 2 : i32
      %dma_start3A_365 = arith.constant 2 : i32
      %dma_start3A_366 = arith.constant 0 : i32
      %dma_start3A_367 = arith.constant 0 : i32
      %dma_start3A_368 = tpu.memref_slice %arg6[%dma_start3A_364, %dma_start3A_366, %dma_start3A_367] : memref<4x104x64xf32, #tpu.memory_space<vmem>> -> memref<1x96x64xf32, #tpu.memory_space<vmem>>
      %dma_start3A_369 = tpu.memref_squeeze %dma_start3A_368 : memref<1x96x64xf32, #tpu.memory_space<vmem>> -> memref<96x64xf32, #tpu.memory_space<vmem>>
      %dma_start3A_370 = arith.constant 0 : i32
      %dma_start3A_371 = arith.constant 0 : i32
      %dma_start3A_372 = tpu.memref_slice %arg4[%add3A_363, %dma_start3A_370, %dma_start3A_371] : memref<4096x200x64xf32, #tpu.memory_space<hbm>> -> memref<1x96x64xf32, #tpu.memory_space<hbm>>
      %dma_start3A_373 = tpu.memref_squeeze %dma_start3A_372 : memref<1x96x64xf32, #tpu.memory_space<hbm>> -> memref<96x64xf32, #tpu.memory_space<hbm>>
      %dma_start3A_374 = tpu.memref_slice %arg8[%dma_start3A_365] : memref<4x!tpu.dma_semaphore, #tpu.memory_space<semaphore_mem>> -> memref<1x!tpu.dma_semaphore, #tpu.memory_space<semaphore_mem>>
      %dma_start3A_375 = tpu.memref_squeeze %dma_start3A_374 : memref<1x!tpu.dma_semaphore, #tpu.memory_space<semaphore_mem>> -> memref<!tpu.dma_semaphore, #tpu.memory_space<semaphore_mem>>
      %dma_start3A_376 = arith.constant 0 : i32
      %dma_start3A_377 = arith.constant 0 : i32
      %dma_start3A_378 = tpu.memref_slice %arg4[%add3A_363, %dma_start3A_376, %dma_start3A_377] : memref<4096x200x64xf32, #tpu.memory_space<hbm>> -> memref<1x96x64xf32, #tpu.memory_space<hbm>>
      %dma_start3A_379 = tpu.memref_squeeze %dma_start3A_378 : memref<1x96x64xf32, #tpu.memory_space<hbm>> -> memref<96x64xf32, #tpu.memory_space<hbm>>
      %dma_start3A_380 = arith.constant 0 : i32
      %dma_start3A_381 = arith.constant 0 : i32
      %dma_start3A_382 = tpu.memref_slice %arg6[%dma_start3A_364, %dma_start3A_380, %dma_start3A_381] : memref<4x104x64xf32, #tpu.memory_space<vmem>> -> memref<1x96x64xf32, #tpu.memory_space<vmem>>
      %dma_start3A_383 = tpu.memref_squeeze %dma_start3A_382 : memref<1x96x64xf32, #tpu.memory_space<vmem>> -> memref<96x64xf32, #tpu.memory_space<vmem>>
      tpu.enqueue_dma source(%dma_start3A_383 : memref<96x64xf32, #tpu.memory_space<vmem>>) target(%dma_start3A_379 : memref<96x64xf32, #tpu.memory_space<hbm>>) target_semaphore(%dma_start3A_375 : memref<!tpu.dma_semaphore, #tpu.memory_space<semaphore_mem>>)
      %sub3A_384 = arith.constant 2 : i32
      %sub3A_385 = arith.subi %add3A_308, %sub3A_384 : i32
      %jit3A_386 = arith.constant 2 : i32
      %div3A_387 = arith.divsi %sub3A_385, %jit3A_386 : i32
      %sign3A_388 = arith.constant 0 : i32
      %sign3A_389 = arith.cmpi sgt, %sub3A_385, %sign3A_388 : i32
      %sign3A_390 = arith.extui %sign3A_389 : i1 to i32
      %sign3A_391 = arith.constant 0 : i32
      %sign3A_392 = arith.cmpi slt, %sub3A_385, %sign3A_391 : i32
      %sign3A_393 = arith.extui %sign3A_392 : i1 to i32
      %sign3A_394 = arith.subi %sign3A_390, %sign3A_393 : i32
      %sign3A_395 = arith.constant 0 : i32
      %sign3A_396 = arith.cmpi sgt, %jit3A_386, %sign3A_395 : i32
      %sign3A_397 = arith.extui %sign3A_396 : i1 to i32
      %sign3A_398 = arith.constant 0 : i32
      %sign3A_399 = arith.cmpi slt, %jit3A_386, %sign3A_398 : i32
      %sign3A_400 = arith.extui %sign3A_399 : i1 to i32
      %sign3A_401 = arith.subi %sign3A_397, %sign3A_400 : i32
      %ne3A_402 = arith.cmpi ne, %sign3A_394, %sign3A_401 : i32
      %rem3A_403 = arith.remsi %sub3A_385, %jit3A_386 : i32
      %ne3A_404 = arith.constant 0 : i32
      %ne3A_405 = arith.cmpi ne, %rem3A_403, %ne3A_404 : i32
      %and3A_406 = arith.andi %ne3A_402, %ne3A_405 : i1
      %sub3A_407 = arith.constant 1 : i32
      %sub3A_408 = arith.subi %div3A_387, %sub3A_407 : i32
      %select_n3A_409 = arith.select %and3A_406, %sub3A_408, %div3A_387 : i32
      %add3A_410 = arith.addi %mul3A_2, %select_n3A_409 : i32
      %dma_wait3A_411 = arith.constant 0 : i32
      %dma_wait3A_412 = arith.constant 0 : i32
      %dma_wait3A_413 = arith.constant 0 : i32
      %dma_wait3A_414 = arith.constant 0 : i32
      %dma_wait3A_415 = tpu.memref_slice %arg6[%dma_wait3A_411, %dma_wait3A_413, %dma_wait3A_414] : memref<4x104x64xf32, #tpu.memory_space<vmem>> -> memref<1x96x64xf32, #tpu.memory_space<vmem>>
      %dma_wait3A_416 = tpu.memref_squeeze %dma_wait3A_415 : memref<1x96x64xf32, #tpu.memory_space<vmem>> -> memref<96x64xf32, #tpu.memory_space<vmem>>
      %dma_wait3A_417 = arith.constant 0 : i32
      %dma_wait3A_418 = arith.constant 0 : i32
      %dma_wait3A_419 = tpu.memref_slice %arg4[%add3A_410, %dma_wait3A_417, %dma_wait3A_418] : memref<4096x200x64xf32, #tpu.memory_space<hbm>> -> memref<1x96x64xf32, #tpu.memory_space<hbm>>
      %dma_wait3A_420 = tpu.memref_squeeze %dma_wait3A_419 : memref<1x96x64xf32, #tpu.memory_space<hbm>> -> memref<96x64xf32, #tpu.memory_space<hbm>>
      %dma_wait3A_421 = tpu.memref_slice %arg8[%dma_wait3A_412] : memref<4x!tpu.dma_semaphore, #tpu.memory_space<semaphore_mem>> -> memref<1x!tpu.dma_semaphore, #tpu.memory_space<semaphore_mem>>
      %dma_wait3A_422 = tpu.memref_squeeze %dma_wait3A_421 : memref<1x!tpu.dma_semaphore, #tpu.memory_space<semaphore_mem>> -> memref<!tpu.dma_semaphore, #tpu.memory_space<semaphore_mem>>
      %dma_wait3A_423 = arith.constant 0 : i32
      %dma_wait3A_424 = arith.constant 0 : i32
      %dma_wait3A_425 = tpu.memref_slice %arg4[%add3A_410, %dma_wait3A_423, %dma_wait3A_424] : memref<4096x200x64xf32, #tpu.memory_space<hbm>> -> memref<1x96x64xf32, #tpu.memory_space<hbm>>
      %dma_wait3A_426 = tpu.memref_squeeze %dma_wait3A_425 : memref<1x96x64xf32, #tpu.memory_space<hbm>> -> memref<96x64xf32, #tpu.memory_space<hbm>>
      %dma_wait3A_427 = arith.constant 0 : i32
      %dma_wait3A_428 = arith.constant 0 : i32
      %dma_wait3A_429 = tpu.memref_slice %arg6[%dma_wait3A_411, %dma_wait3A_427, %dma_wait3A_428] : memref<4x104x64xf32, #tpu.memory_space<vmem>> -> memref<1x96x64xf32, #tpu.memory_space<vmem>>
      %dma_wait3A_430 = tpu.memref_squeeze %dma_wait3A_429 : memref<1x96x64xf32, #tpu.memory_space<vmem>> -> memref<96x64xf32, #tpu.memory_space<vmem>>
      tpu.wait_dma2 semaphore(%dma_wait3A_422 : memref<!tpu.dma_semaphore, #tpu.memory_space<semaphore_mem>>) src(%dma_wait3A_430 : memref<96x64xf32, #tpu.memory_space<vmem>>) dst(%dma_wait3A_426 : memref<96x64xf32, #tpu.memory_space<hbm>>)
      %add3A_431 = arith.constant 2 : i32
      %add3A_432 = arith.addi %add3A_308, %add3A_431 : i32
      %jit3A_433 = arith.constant 2 : i32
      %div3A_434 = arith.divsi %add3A_432, %jit3A_433 : i32
      %sign3A_435 = arith.constant 0 : i32
      %sign3A_436 = arith.cmpi sgt, %add3A_432, %sign3A_435 : i32
      %sign3A_437 = arith.extui %sign3A_436 : i1 to i32
      %sign3A_438 = arith.constant 0 : i32
      %sign3A_439 = arith.cmpi slt, %add3A_432, %sign3A_438 : i32
      %sign3A_440 = arith.extui %sign3A_439 : i1 to i32
      %sign3A_441 = arith.subi %sign3A_437, %sign3A_440 : i32
      %sign3A_442 = arith.constant 0 : i32
      %sign3A_443 = arith.cmpi sgt, %jit3A_433, %sign3A_442 : i32
      %sign3A_444 = arith.extui %sign3A_443 : i1 to i32
      %sign3A_445 = arith.constant 0 : i32
      %sign3A_446 = arith.cmpi slt, %jit3A_433, %sign3A_445 : i32
      %sign3A_447 = arith.extui %sign3A_446 : i1 to i32
      %sign3A_448 = arith.subi %sign3A_444, %sign3A_447 : i32
      %ne3A_449 = arith.cmpi ne, %sign3A_441, %sign3A_448 : i32
      %rem3A_450 = arith.remsi %add3A_432, %jit3A_433 : i32
      %ne3A_451 = arith.constant 0 : i32
      %ne3A_452 = arith.cmpi ne, %rem3A_450, %ne3A_451 : i32
      %and3A_453 = arith.andi %ne3A_449, %ne3A_452 : i1
      %sub3A_454 = arith.constant 1 : i32
      %sub3A_455 = arith.subi %div3A_434, %sub3A_454 : i32
      %select_n3A_456 = arith.select %and3A_453, %sub3A_455, %div3A_434 : i32
      %dma_start3A_457 = arith.constant 0 : i32
      %dma_start3A_458 = arith.constant 0 : i32
      %dma_start3A_459 = arith.constant 0 : i32
      %dma_start3A_460 = arith.constant 0 : i32
      %dma_start3A_461 = tpu.memref_slice %arg6[%dma_start3A_457, %dma_start3A_459, %dma_start3A_460] : memref<4x104x64xf32, #tpu.memory_space<vmem>> -> memref<1x96x64xf32, #tpu.memory_space<vmem>>
      %dma_start3A_462 = tpu.memref_squeeze %dma_start3A_461 : memref<1x96x64xf32, #tpu.memory_space<vmem>> -> memref<96x64xf32, #tpu.memory_space<vmem>>
      %dma_start3A_463 = arith.constant 0 : i32
      %dma_start3A_464 = tpu.memref_slice %arg5[%select_n3A_456, %dma_start3A_463] : memref<128x200xi32, #tpu.memory_space<vmem>> -> memref<1x96xi32, #tpu.memory_space<vmem>>
      %dma_start3A_465 = tpu.memref_squeeze %dma_start3A_464 : memref<1x96xi32, #tpu.memory_space<vmem>> -> memref<96xi32, #tpu.memory_space<vmem>>
      %dma_start3A_466 = arith.constant 0 : i32
      %dma_start3A_467 = arith.constant 0 : i32
      %dma_start3A_468 = tpu.memref_slice %arg3[%dma_start3A_466, %dma_start3A_467] : memref<1000000x64xf32, #tpu.memory_space<hbm>> -> memref<1000000x64xf32, #tpu.memory_space<hbm>>
      %dma_start3A_469 = tpu.memref_slice %arg7[%dma_start3A_458] : memref<4x!tpu.dma_semaphore, #tpu.memory_space<semaphore_mem>> -> memref<1x!tpu.dma_semaphore, #tpu.memory_space<semaphore_mem>>
      %dma_start3A_470 = tpu.memref_squeeze %dma_start3A_469 : memref<1x!tpu.dma_semaphore, #tpu.memory_space<semaphore_mem>> -> memref<!tpu.dma_semaphore, #tpu.memory_space<semaphore_mem>>
      tpu.enqueue_indirect_dma source(%dma_start3A_468 : memref<1000000x64xf32, #tpu.memory_space<hbm>>) target(%dma_start3A_462 : memref<96x64xf32, #tpu.memory_space<vmem>>) offsets(%dma_start3A_465 : memref<96xi32, #tpu.memory_space<vmem>>) semaphore(%dma_start3A_470 : memref<!tpu.dma_semaphore, #tpu.memory_space<semaphore_mem>>)
      %add3A_471 = arith.constant 1 : i32
      %add3A_472 = arith.addi %add3A_306, %add3A_471 : i32
      %jit3A_473 = arith.constant 2 : i32
      %div3A_474 = arith.divsi %add3A_472, %jit3A_473 : i32
      %sign3A_475 = arith.constant 0 : i32
      %sign3A_476 = arith.cmpi sgt, %add3A_472, %sign3A_475 : i32
      %sign3A_477 = arith.extui %sign3A_476 : i1 to i32
      %sign3A_478 = arith.constant 0 : i32
      %sign3A_479 = arith.cmpi slt, %add3A_472, %sign3A_478 : i32
      %sign3A_480 = arith.extui %sign3A_479 : i1 to i32
      %sign3A_481 = arith.subi %sign3A_477, %sign3A_480 : i32
      %sign3A_482 = arith.constant 0 : i32
      %sign3A_483 = arith.cmpi sgt, %jit3A_473, %sign3A_482 : i32
      %sign3A_484 = arith.extui %sign3A_483 : i1 to i32
      %sign3A_485 = arith.constant 0 : i32
      %sign3A_486 = arith.cmpi slt, %jit3A_473, %sign3A_485 : i32
      %sign3A_487 = arith.extui %sign3A_486 : i1 to i32
      %sign3A_488 = arith.subi %sign3A_484, %sign3A_487 : i32
      %ne3A_489 = arith.cmpi ne, %sign3A_481, %sign3A_488 : i32
      %rem3A_490 = arith.remsi %add3A_472, %jit3A_473 : i32
      %ne3A_491 = arith.constant 0 : i32
      %ne3A_492 = arith.cmpi ne, %rem3A_490, %ne3A_491 : i32
      %and3A_493 = arith.andi %ne3A_489, %ne3A_492 : i1
      %sub3A_494 = arith.constant 1 : i32
      %sub3A_495 = arith.subi %div3A_474, %sub3A_494 : i32
      %select_n3A_496 = arith.select %and3A_493, %sub3A_495, %div3A_474 : i32
      %dma_wait3A_497 = arith.constant 3 : i32
      %dma_wait3A_498 = arith.constant 3 : i32
      %dma_wait3A_499 = arith.constant 0 : i32
      %dma_wait3A_500 = arith.constant 0 : i32
      %dma_wait3A_501 = tpu.memref_slice %arg6[%dma_wait3A_497, %dma_wait3A_499, %dma_wait3A_500] : memref<4x104x64xf32, #tpu.memory_space<vmem>> -> memref<1x104x64xf32, #tpu.memory_space<vmem>>
      %dma_wait3A_502 = tpu.memref_squeeze %dma_wait3A_501 : memref<1x104x64xf32, #tpu.memory_space<vmem>> -> memref<104x64xf32, #tpu.memory_space<vmem>>
      %dma_wait3A_503 = arith.constant 96 : i32
      %dma_wait3A_504 = tpu.memref_slice %arg5[%select_n3A_496, %dma_wait3A_503] : memref<128x200xi32, #tpu.memory_space<vmem>> -> memref<1x104xi32, #tpu.memory_space<vmem>>
      %dma_wait3A_505 = tpu.memref_squeeze %dma_wait3A_504 : memref<1x104xi32, #tpu.memory_space<vmem>> -> memref<104xi32, #tpu.memory_space<vmem>>
      %dma_wait3A_506 = arith.constant 0 : i32
      %dma_wait3A_507 = arith.constant 0 : i32
      %dma_wait3A_508 = tpu.memref_slice %arg3[%dma_wait3A_506, %dma_wait3A_507] : memref<1000000x64xf32, #tpu.memory_space<hbm>> -> memref<1000000x64xf32, #tpu.memory_space<hbm>>
      %dma_wait3A_509 = tpu.memref_slice %arg7[%dma_wait3A_498] : memref<4x!tpu.dma_semaphore, #tpu.memory_space<semaphore_mem>> -> memref<1x!tpu.dma_semaphore, #tpu.memory_space<semaphore_mem>>
      %dma_wait3A_510 = tpu.memref_squeeze %dma_wait3A_509 : memref<1x!tpu.dma_semaphore, #tpu.memory_space<semaphore_mem>> -> memref<!tpu.dma_semaphore, #tpu.memory_space<semaphore_mem>>
      tpu.wait_indirect_dma semaphore(%dma_wait3A_510 : memref<!tpu.dma_semaphore, #tpu.memory_space<semaphore_mem>>) src(%dma_wait3A_508 : memref<1000000x64xf32, #tpu.memory_space<hbm>>) dst(%dma_wait3A_502 : memref<104x64xf32, #tpu.memory_space<vmem>>)
      %jit3A_511 = arith.constant 2 : i32
      %div3A_512 = arith.divsi %add3A_472, %jit3A_511 : i32
      %sign3A_513 = arith.constant 0 : i32
      %sign3A_514 = arith.cmpi sgt, %add3A_472, %sign3A_513 : i32
      %sign3A_515 = arith.extui %sign3A_514 : i1 to i32
      %sign3A_516 = arith.constant 0 : i32
      %sign3A_517 = arith.cmpi slt, %add3A_472, %sign3A_516 : i32
      %sign3A_518 = arith.extui %sign3A_517 : i1 to i32
      %sign3A_519 = arith.subi %sign3A_515, %sign3A_518 : i32
      %sign3A_520 = arith.constant 0 : i32
      %sign3A_521 = arith.cmpi sgt, %jit3A_511, %sign3A_520 : i32
      %sign3A_522 = arith.extui %sign3A_521 : i1 to i32
      %sign3A_523 = arith.constant 0 : i32
      %sign3A_524 = arith.cmpi slt, %jit3A_511, %sign3A_523 : i32
      %sign3A_525 = arith.extui %sign3A_524 : i1 to i32
      %sign3A_526 = arith.subi %sign3A_522, %sign3A_525 : i32
      %ne3A_527 = arith.cmpi ne, %sign3A_519, %sign3A_526 : i32
      %rem3A_528 = arith.remsi %add3A_472, %jit3A_511 : i32
      %ne3A_529 = arith.constant 0 : i32
      %ne3A_530 = arith.cmpi ne, %rem3A_528, %ne3A_529 : i32
      %and3A_531 = arith.andi %ne3A_527, %ne3A_530 : i1
      %sub3A_532 = arith.constant 1 : i32
      %sub3A_533 = arith.subi %div3A_512, %sub3A_532 : i32
      %select_n3A_534 = arith.select %and3A_531, %sub3A_533, %div3A_512 : i32
      %add3A_535 = arith.addi %mul3A_2, %select_n3A_534 : i32
      %dma_start3A_536 = arith.constant 3 : i32
      %dma_start3A_537 = arith.constant 3 : i32
      %dma_start3A_538 = arith.constant 0 : i32
      %dma_start3A_539 = arith.constant 0 : i32
      %dma_start3A_540 = tpu.memref_slice %arg6[%dma_start3A_536, %dma_start3A_538, %dma_start3A_539] : memref<4x104x64xf32, #tpu.memory_space<vmem>> -> memref<1x104x64xf32, #tpu.memory_space<vmem>>
      %dma_start3A_541 = tpu.memref_squeeze %dma_start3A_540 : memref<1x104x64xf32, #tpu.memory_space<vmem>> -> memref<104x64xf32, #tpu.memory_space<vmem>>
      %dma_start3A_542 = arith.constant 96 : i32
      %dma_start3A_543 = arith.constant 0 : i32
      %dma_start3A_544 = tpu.memref_slice %arg4[%add3A_535, %dma_start3A_542, %dma_start3A_543] : memref<4096x200x64xf32, #tpu.memory_space<hbm>> -> memref<1x104x64xf32, #tpu.memory_space<hbm>>
      %dma_start3A_545 = tpu.memref_squeeze %dma_start3A_544 : memref<1x104x64xf32, #tpu.memory_space<hbm>> -> memref<104x64xf32, #tpu.memory_space<hbm>>
      %dma_start3A_546 = tpu.memref_slice %arg8[%dma_start3A_537] : memref<4x!tpu.dma_semaphore, #tpu.memory_space<semaphore_mem>> -> memref<1x!tpu.dma_semaphore, #tpu.memory_space<semaphore_mem>>
      %dma_start3A_547 = tpu.memref_squeeze %dma_start3A_546 : memref<1x!tpu.dma_semaphore, #tpu.memory_space<semaphore_mem>> -> memref<!tpu.dma_semaphore, #tpu.memory_space<semaphore_mem>>
      %dma_start3A_548 = arith.constant 96 : i32
      %dma_start3A_549 = arith.constant 0 : i32
      %dma_start3A_550 = tpu.memref_slice %arg4[%add3A_535, %dma_start3A_548, %dma_start3A_549] : memref<4096x200x64xf32, #tpu.memory_space<hbm>> -> memref<1x104x64xf32, #tpu.memory_space<hbm>>
      %dma_start3A_551 = tpu.memref_squeeze %dma_start3A_550 : memref<1x104x64xf32, #tpu.memory_space<hbm>> -> memref<104x64xf32, #tpu.memory_space<hbm>>
      %dma_start3A_552 = arith.constant 0 : i32
      %dma_start3A_553 = arith.constant 0 : i32
      %dma_start3A_554 = tpu.memref_slice %arg6[%dma_start3A_536, %dma_start3A_552, %dma_start3A_553] : memref<4x104x64xf32, #tpu.memory_space<vmem>> -> memref<1x104x64xf32, #tpu.memory_space<vmem>>
      %dma_start3A_555 = tpu.memref_squeeze %dma_start3A_554 : memref<1x104x64xf32, #tpu.memory_space<vmem>> -> memref<104x64xf32, #tpu.memory_space<vmem>>
      tpu.enqueue_dma source(%dma_start3A_555 : memref<104x64xf32, #tpu.memory_space<vmem>>) target(%dma_start3A_551 : memref<104x64xf32, #tpu.memory_space<hbm>>) target_semaphore(%dma_start3A_547 : memref<!tpu.dma_semaphore, #tpu.memory_space<semaphore_mem>>)
      %sub3A_556 = arith.constant 2 : i32
      %sub3A_557 = arith.subi %add3A_472, %sub3A_556 : i32
      %jit3A_558 = arith.constant 2 : i32
      %div3A_559 = arith.divsi %sub3A_557, %jit3A_558 : i32
      %sign3A_560 = arith.constant 0 : i32
      %sign3A_561 = arith.cmpi sgt, %sub3A_557, %sign3A_560 : i32
      %sign3A_562 = arith.extui %sign3A_561 : i1 to i32
      %sign3A_563 = arith.constant 0 : i32
      %sign3A_564 = arith.cmpi slt, %sub3A_557, %sign3A_563 : i32
      %sign3A_565 = arith.extui %sign3A_564 : i1 to i32
      %sign3A_566 = arith.subi %sign3A_562, %sign3A_565 : i32
      %sign3A_567 = arith.constant 0 : i32
      %sign3A_568 = arith.cmpi sgt, %jit3A_558, %sign3A_567 : i32
      %sign3A_569 = arith.extui %sign3A_568 : i1 to i32
      %sign3A_570 = arith.constant 0 : i32
      %sign3A_571 = arith.cmpi slt, %jit3A_558, %sign3A_570 : i32
      %sign3A_572 = arith.extui %sign3A_571 : i1 to i32
      %sign3A_573 = arith.subi %sign3A_569, %sign3A_572 : i32
      %ne3A_574 = arith.cmpi ne, %sign3A_566, %sign3A_573 : i32
      %rem3A_575 = arith.remsi %sub3A_557, %jit3A_558 : i32
      %ne3A_576 = arith.constant 0 : i32
      %ne3A_577 = arith.cmpi ne, %rem3A_575, %ne3A_576 : i32
      %and3A_578 = arith.andi %ne3A_574, %ne3A_577 : i1
      %sub3A_579 = arith.constant 1 : i32
      %sub3A_580 = arith.subi %div3A_559, %sub3A_579 : i32
      %select_n3A_581 = arith.select %and3A_578, %sub3A_580, %div3A_559 : i32
      %add3A_582 = arith.addi %mul3A_2, %select_n3A_581 : i32
      %dma_wait3A_583 = arith.constant 1 : i32
      %dma_wait3A_584 = arith.constant 1 : i32
      %dma_wait3A_585 = arith.constant 0 : i32
      %dma_wait3A_586 = arith.constant 0 : i32
      %dma_wait3A_587 = tpu.memref_slice %arg6[%dma_wait3A_583, %dma_wait3A_585, %dma_wait3A_586] : memref<4x104x64xf32, #tpu.memory_space<vmem>> -> memref<1x104x64xf32, #tpu.memory_space<vmem>>
      %dma_wait3A_588 = tpu.memref_squeeze %dma_wait3A_587 : memref<1x104x64xf32, #tpu.memory_space<vmem>> -> memref<104x64xf32, #tpu.memory_space<vmem>>
      %dma_wait3A_589 = arith.constant 96 : i32
      %dma_wait3A_590 = arith.constant 0 : i32
      %dma_wait3A_591 = tpu.memref_slice %arg4[%add3A_582, %dma_wait3A_589, %dma_wait3A_590] : memref<4096x200x64xf32, #tpu.memory_space<hbm>> -> memref<1x104x64xf32, #tpu.memory_space<hbm>>
      %dma_wait3A_592 = tpu.memref_squeeze %dma_wait3A_591 : memref<1x104x64xf32, #tpu.memory_space<hbm>> -> memref<104x64xf32, #tpu.memory_space<hbm>>
      %dma_wait3A_593 = tpu.memref_slice %arg8[%dma_wait3A_584] : memref<4x!tpu.dma_semaphore, #tpu.memory_space<semaphore_mem>> -> memref<1x!tpu.dma_semaphore, #tpu.memory_space<semaphore_mem>>
      %dma_wait3A_594 = tpu.memref_squeeze %dma_wait3A_593 : memref<1x!tpu.dma_semaphore, #tpu.memory_space<semaphore_mem>> -> memref<!tpu.dma_semaphore, #tpu.memory_space<semaphore_mem>>
      %dma_wait3A_595 = arith.constant 96 : i32
      %dma_wait3A_596 = arith.constant 0 : i32
      %dma_wait3A_597 = tpu.memref_slice %arg4[%add3A_582, %dma_wait3A_595, %dma_wait3A_596] : memref<4096x200x64xf32, #tpu.memory_space<hbm>> -> memref<1x104x64xf32, #tpu.memory_space<hbm>>
      %dma_wait3A_598 = tpu.memref_squeeze %dma_wait3A_597 : memref<1x104x64xf32, #tpu.memory_space<hbm>> -> memref<104x64xf32, #tpu.memory_space<hbm>>
      %dma_wait3A_599 = arith.constant 0 : i32
      %dma_wait3A_600 = arith.constant 0 : i32
      %dma_wait3A_601 = tpu.memref_slice %arg6[%dma_wait3A_583, %dma_wait3A_599, %dma_wait3A_600] : memref<4x104x64xf32, #tpu.memory_space<vmem>> -> memref<1x104x64xf32, #tpu.memory_space<vmem>>
      %dma_wait3A_602 = tpu.memref_squeeze %dma_wait3A_601 : memref<1x104x64xf32, #tpu.memory_space<vmem>> -> memref<104x64xf32, #tpu.memory_space<vmem>>
      tpu.wait_dma2 semaphore(%dma_wait3A_594 : memref<!tpu.dma_semaphore, #tpu.memory_space<semaphore_mem>>) src(%dma_wait3A_602 : memref<104x64xf32, #tpu.memory_space<vmem>>) dst(%dma_wait3A_598 : memref<104x64xf32, #tpu.memory_space<hbm>>)
      %add3A_603 = arith.constant 2 : i32
      %add3A_604 = arith.addi %add3A_472, %add3A_603 : i32
      %jit3A_605 = arith.constant 2 : i32
      %div3A_606 = arith.divsi %add3A_604, %jit3A_605 : i32
      %sign3A_607 = arith.constant 0 : i32
      %sign3A_608 = arith.cmpi sgt, %add3A_604, %sign3A_607 : i32
      %sign3A_609 = arith.extui %sign3A_608 : i1 to i32
      %sign3A_610 = arith.constant 0 : i32
      %sign3A_611 = arith.cmpi slt, %add3A_604, %sign3A_610 : i32
      %sign3A_612 = arith.extui %sign3A_611 : i1 to i32
      %sign3A_613 = arith.subi %sign3A_609, %sign3A_612 : i32
      %sign3A_614 = arith.constant 0 : i32
      %sign3A_615 = arith.cmpi sgt, %jit3A_605, %sign3A_614 : i32
      %sign3A_616 = arith.extui %sign3A_615 : i1 to i32
      %sign3A_617 = arith.constant 0 : i32
      %sign3A_618 = arith.cmpi slt, %jit3A_605, %sign3A_617 : i32
      %sign3A_619 = arith.extui %sign3A_618 : i1 to i32
      %sign3A_620 = arith.subi %sign3A_616, %sign3A_619 : i32
      %ne3A_621 = arith.cmpi ne, %sign3A_613, %sign3A_620 : i32
      %rem3A_622 = arith.remsi %add3A_604, %jit3A_605 : i32
      %ne3A_623 = arith.constant 0 : i32
      %ne3A_624 = arith.cmpi ne, %rem3A_622, %ne3A_623 : i32
      %and3A_625 = arith.andi %ne3A_621, %ne3A_624 : i1
      %sub3A_626 = arith.constant 1 : i32
      %sub3A_627 = arith.subi %div3A_606, %sub3A_626 : i32
      %select_n3A_628 = arith.select %and3A_625, %sub3A_627, %div3A_606 : i32
      %dma_start3A_629 = arith.constant 1 : i32
      %dma_start3A_630 = arith.constant 1 : i32
      %dma_start3A_631 = arith.constant 0 : i32
      %dma_start3A_632 = arith.constant 0 : i32
      %dma_start3A_633 = tpu.memref_slice %arg6[%dma_start3A_629, %dma_start3A_631, %dma_start3A_632] : memref<4x104x64xf32, #tpu.memory_space<vmem>> -> memref<1x104x64xf32, #tpu.memory_space<vmem>>
      %dma_start3A_634 = tpu.memref_squeeze %dma_start3A_633 : memref<1x104x64xf32, #tpu.memory_space<vmem>> -> memref<104x64xf32, #tpu.memory_space<vmem>>
      %dma_start3A_635 = arith.constant 96 : i32
      %dma_start3A_636 = tpu.memref_slice %arg5[%select_n3A_628, %dma_start3A_635] : memref<128x200xi32, #tpu.memory_space<vmem>> -> memref<1x104xi32, #tpu.memory_space<vmem>>
      %dma_start3A_637 = tpu.memref_squeeze %dma_start3A_636 : memref<1x104xi32, #tpu.memory_space<vmem>> -> memref<104xi32, #tpu.memory_space<vmem>>
      %dma_start3A_638 = arith.constant 0 : i32
      %dma_start3A_639 = arith.constant 0 : i32
      %dma_start3A_640 = tpu.memref_slice %arg3[%dma_start3A_638, %dma_start3A_639] : memref<1000000x64xf32, #tpu.memory_space<hbm>> -> memref<1000000x64xf32, #tpu.memory_space<hbm>>
      %dma_start3A_641 = tpu.memref_slice %arg7[%dma_start3A_630] : memref<4x!tpu.dma_semaphore, #tpu.memory_space<semaphore_mem>> -> memref<1x!tpu.dma_semaphore, #tpu.memory_space<semaphore_mem>>
      %dma_start3A_642 = tpu.memref_squeeze %dma_start3A_641 : memref<1x!tpu.dma_semaphore, #tpu.memory_space<semaphore_mem>> -> memref<!tpu.dma_semaphore, #tpu.memory_space<semaphore_mem>>
      tpu.enqueue_indirect_dma source(%dma_start3A_640 : memref<1000000x64xf32, #tpu.memory_space<hbm>>) target(%dma_start3A_634 : memref<104x64xf32, #tpu.memory_space<vmem>>) offsets(%dma_start3A_637 : memref<104xi32, #tpu.memory_space<vmem>>) semaphore(%dma_start3A_642 : memref<!tpu.dma_semaphore, #tpu.memory_space<semaphore_mem>>)
      %add3A_643 = arith.constant 2 : i32
      %add3A_644 = arith.addi %add3A_306, %add3A_643 : i32
      %jit3A_645 = arith.constant 2 : i32
      %div3A_646 = arith.divsi %add3A_644, %jit3A_645 : i32
      %sign3A_647 = arith.constant 0 : i32
      %sign3A_648 = arith.cmpi sgt, %add3A_644, %sign3A_647 : i32
      %sign3A_649 = arith.extui %sign3A_648 : i1 to i32
      %sign3A_650 = arith.constant 0 : i32
      %sign3A_651 = arith.cmpi slt, %add3A_644, %sign3A_650 : i32
      %sign3A_652 = arith.extui %sign3A_651 : i1 to i32
      %sign3A_653 = arith.subi %sign3A_649, %sign3A_652 : i32
      %sign3A_654 = arith.constant 0 : i32
      %sign3A_655 = arith.cmpi sgt, %jit3A_645, %sign3A_654 : i32
      %sign3A_656 = arith.extui %sign3A_655 : i1 to i32
      %sign3A_657 = arith.constant 0 : i32
      %sign3A_658 = arith.cmpi slt, %jit3A_645, %sign3A_657 : i32
      %sign3A_659 = arith.extui %sign3A_658 : i1 to i32
      %sign3A_660 = arith.subi %sign3A_656, %sign3A_659 : i32
      %ne3A_661 = arith.cmpi ne, %sign3A_653, %sign3A_660 : i32
      %rem3A_662 = arith.remsi %add3A_644, %jit3A_645 : i32
      %ne3A_663 = arith.constant 0 : i32
      %ne3A_664 = arith.cmpi ne, %rem3A_662, %ne3A_663 : i32
      %and3A_665 = arith.andi %ne3A_661, %ne3A_664 : i1
      %sub3A_666 = arith.constant 1 : i32
      %sub3A_667 = arith.subi %div3A_646, %sub3A_666 : i32
      %select_n3A_668 = arith.select %and3A_665, %sub3A_667, %div3A_646 : i32
      %dma_wait3A_669 = arith.constant 0 : i32
      %dma_wait3A_670 = arith.constant 0 : i32
      %dma_wait3A_671 = arith.constant 0 : i32
      %dma_wait3A_672 = arith.constant 0 : i32
      %dma_wait3A_673 = tpu.memref_slice %arg6[%dma_wait3A_669, %dma_wait3A_671, %dma_wait3A_672] : memref<4x104x64xf32, #tpu.memory_space<vmem>> -> memref<1x96x64xf32, #tpu.memory_space<vmem>>
      %dma_wait3A_674 = tpu.memref_squeeze %dma_wait3A_673 : memref<1x96x64xf32, #tpu.memory_space<vmem>> -> memref<96x64xf32, #tpu.memory_space<vmem>>
      %dma_wait3A_675 = arith.constant 0 : i32
      %dma_wait3A_676 = tpu.memref_slice %arg5[%select_n3A_668, %dma_wait3A_675] : memref<128x200xi32, #tpu.memory_space<vmem>> -> memref<1x96xi32, #tpu.memory_space<vmem>>
      %dma_wait3A_677 = tpu.memref_squeeze %dma_wait3A_676 : memref<1x96xi32, #tpu.memory_space<vmem>> -> memref<96xi32, #tpu.memory_space<vmem>>
      %dma_wait3A_678 = arith.constant 0 : i32
      %dma_wait3A_679 = arith.constant 0 : i32
      %dma_wait3A_680 = tpu.memref_slice %arg3[%dma_wait3A_678, %dma_wait3A_679] : memref<1000000x64xf32, #tpu.memory_space<hbm>> -> memref<1000000x64xf32, #tpu.memory_space<hbm>>
      %dma_wait3A_681 = tpu.memref_slice %arg7[%dma_wait3A_670] : memref<4x!tpu.dma_semaphore, #tpu.memory_space<semaphore_mem>> -> memref<1x!tpu.dma_semaphore, #tpu.memory_space<semaphore_mem>>
      %dma_wait3A_682 = tpu.memref_squeeze %dma_wait3A_681 : memref<1x!tpu.dma_semaphore, #tpu.memory_space<semaphore_mem>> -> memref<!tpu.dma_semaphore, #tpu.memory_space<semaphore_mem>>
      tpu.wait_indirect_dma semaphore(%dma_wait3A_682 : memref<!tpu.dma_semaphore, #tpu.memory_space<semaphore_mem>>) src(%dma_wait3A_680 : memref<1000000x64xf32, #tpu.memory_space<hbm>>) dst(%dma_wait3A_674 : memref<96x64xf32, #tpu.memory_space<vmem>>)
      %jit3A_683 = arith.constant 2 : i32
      %div3A_684 = arith.divsi %add3A_644, %jit3A_683 : i32
      %sign3A_685 = arith.constant 0 : i32
      %sign3A_686 = arith.cmpi sgt, %add3A_644, %sign3A_685 : i32
      %sign3A_687 = arith.extui %sign3A_686 : i1 to i32
      %sign3A_688 = arith.constant 0 : i32
      %sign3A_689 = arith.cmpi slt, %add3A_644, %sign3A_688 : i32
      %sign3A_690 = arith.extui %sign3A_689 : i1 to i32
      %sign3A_691 = arith.subi %sign3A_687, %sign3A_690 : i32
      %sign3A_692 = arith.constant 0 : i32
      %sign3A_693 = arith.cmpi sgt, %jit3A_683, %sign3A_692 : i32
      %sign3A_694 = arith.extui %sign3A_693 : i1 to i32
      %sign3A_695 = arith.constant 0 : i32
      %sign3A_696 = arith.cmpi slt, %jit3A_683, %sign3A_695 : i32
      %sign3A_697 = arith.extui %sign3A_696 : i1 to i32
      %sign3A_698 = arith.subi %sign3A_694, %sign3A_697 : i32
      %ne3A_699 = arith.cmpi ne, %sign3A_691, %sign3A_698 : i32
      %rem3A_700 = arith.remsi %add3A_644, %jit3A_683 : i32
      %ne3A_701 = arith.constant 0 : i32
      %ne3A_702 = arith.cmpi ne, %rem3A_700, %ne3A_701 : i32
      %and3A_703 = arith.andi %ne3A_699, %ne3A_702 : i1
      %sub3A_704 = arith.constant 1 : i32
      %sub3A_705 = arith.subi %div3A_684, %sub3A_704 : i32
      %select_n3A_706 = arith.select %and3A_703, %sub3A_705, %div3A_684 : i32
      %add3A_707 = arith.addi %mul3A_2, %select_n3A_706 : i32
      %dma_start3A_708 = arith.constant 0 : i32
      %dma_start3A_709 = arith.constant 0 : i32
      %dma_start3A_710 = arith.constant 0 : i32
      %dma_start3A_711 = arith.constant 0 : i32
      %dma_start3A_712 = tpu.memref_slice %arg6[%dma_start3A_708, %dma_start3A_710, %dma_start3A_711] : memref<4x104x64xf32, #tpu.memory_space<vmem>> -> memref<1x96x64xf32, #tpu.memory_space<vmem>>
      %dma_start3A_713 = tpu.memref_squeeze %dma_start3A_712 : memref<1x96x64xf32, #tpu.memory_space<vmem>> -> memref<96x64xf32, #tpu.memory_space<vmem>>
      %dma_start3A_714 = arith.constant 0 : i32
      %dma_start3A_715 = arith.constant 0 : i32
      %dma_start3A_716 = tpu.memref_slice %arg4[%add3A_707, %dma_start3A_714, %dma_start3A_715] : memref<4096x200x64xf32, #tpu.memory_space<hbm>> -> memref<1x96x64xf32, #tpu.memory_space<hbm>>
      %dma_start3A_717 = tpu.memref_squeeze %dma_start3A_716 : memref<1x96x64xf32, #tpu.memory_space<hbm>> -> memref<96x64xf32, #tpu.memory_space<hbm>>
      %dma_start3A_718 = tpu.memref_slice %arg8[%dma_start3A_709] : memref<4x!tpu.dma_semaphore, #tpu.memory_space<semaphore_mem>> -> memref<1x!tpu.dma_semaphore, #tpu.memory_space<semaphore_mem>>
      %dma_start3A_719 = tpu.memref_squeeze %dma_start3A_718 : memref<1x!tpu.dma_semaphore, #tpu.memory_space<semaphore_mem>> -> memref<!tpu.dma_semaphore, #tpu.memory_space<semaphore_mem>>
      %dma_start3A_720 = arith.constant 0 : i32
      %dma_start3A_721 = arith.constant 0 : i32
      %dma_start3A_722 = tpu.memref_slice %arg4[%add3A_707, %dma_start3A_720, %dma_start3A_721] : memref<4096x200x64xf32, #tpu.memory_space<hbm>> -> memref<1x96x64xf32, #tpu.memory_space<hbm>>
      %dma_start3A_723 = tpu.memref_squeeze %dma_start3A_722 : memref<1x96x64xf32, #tpu.memory_space<hbm>> -> memref<96x64xf32, #tpu.memory_space<hbm>>
      %dma_start3A_724 = arith.constant 0 : i32
      %dma_start3A_725 = arith.constant 0 : i32
      %dma_start3A_726 = tpu.memref_slice %arg6[%dma_start3A_708, %dma_start3A_724, %dma_start3A_725] : memref<4x104x64xf32, #tpu.memory_space<vmem>> -> memref<1x96x64xf32, #tpu.memory_space<vmem>>
      %dma_start3A_727 = tpu.memref_squeeze %dma_start3A_726 : memref<1x96x64xf32, #tpu.memory_space<vmem>> -> memref<96x64xf32, #tpu.memory_space<vmem>>
      tpu.enqueue_dma source(%dma_start3A_727 : memref<96x64xf32, #tpu.memory_space<vmem>>) target(%dma_start3A_723 : memref<96x64xf32, #tpu.memory_space<hbm>>) target_semaphore(%dma_start3A_719 : memref<!tpu.dma_semaphore, #tpu.memory_space<semaphore_mem>>)
      %sub3A_728 = arith.constant 2 : i32
      %sub3A_729 = arith.subi %add3A_644, %sub3A_728 : i32
      %jit3A_730 = arith.constant 2 : i32
      %div3A_731 = arith.divsi %sub3A_729, %jit3A_730 : i32
      %sign3A_732 = arith.constant 0 : i32
      %sign3A_733 = arith.cmpi sgt, %sub3A_729, %sign3A_732 : i32
      %sign3A_734 = arith.extui %sign3A_733 : i1 to i32
      %sign3A_735 = arith.constant 0 : i32
      %sign3A_736 = arith.cmpi slt, %sub3A_729, %sign3A_735 : i32
      %sign3A_737 = arith.extui %sign3A_736 : i1 to i32
      %sign3A_738 = arith.subi %sign3A_734, %sign3A_737 : i32
      %sign3A_739 = arith.constant 0 : i32
      %sign3A_740 = arith.cmpi sgt, %jit3A_730, %sign3A_739 : i32
      %sign3A_741 = arith.extui %sign3A_740 : i1 to i32
      %sign3A_742 = arith.constant 0 : i32
      %sign3A_743 = arith.cmpi slt, %jit3A_730, %sign3A_742 : i32
      %sign3A_744 = arith.extui %sign3A_743 : i1 to i32
      %sign3A_745 = arith.subi %sign3A_741, %sign3A_744 : i32
      %ne3A_746 = arith.cmpi ne, %sign3A_738, %sign3A_745 : i32
      %rem3A_747 = arith.remsi %sub3A_729, %jit3A_730 : i32
      %ne3A_748 = arith.constant 0 : i32
      %ne3A_749 = arith.cmpi ne, %rem3A_747, %ne3A_748 : i32
      %and3A_750 = arith.andi %ne3A_746, %ne3A_749 : i1
      %sub3A_751 = arith.constant 1 : i32
      %sub3A_752 = arith.subi %div3A_731, %sub3A_751 : i32
      %select_n3A_753 = arith.select %and3A_750, %sub3A_752, %div3A_731 : i32
      %add3A_754 = arith.addi %mul3A_2, %select_n3A_753 : i32
      %dma_wait3A_755 = arith.constant 2 : i32
      %dma_wait3A_756 = arith.constant 2 : i32
      %dma_wait3A_757 = arith.constant 0 : i32
      %dma_wait3A_758 = arith.constant 0 : i32
      %dma_wait3A_759 = tpu.memref_slice %arg6[%dma_wait3A_755, %dma_wait3A_757, %dma_wait3A_758] : memref<4x104x64xf32, #tpu.memory_space<vmem>> -> memref<1x96x64xf32, #tpu.memory_space<vmem>>
      %dma_wait3A_760 = tpu.memref_squeeze %dma_wait3A_759 : memref<1x96x64xf32, #tpu.memory_space<vmem>> -> memref<96x64xf32, #tpu.memory_space<vmem>>
      %dma_wait3A_761 = arith.constant 0 : i32
      %dma_wait3A_762 = arith.constant 0 : i32
      %dma_wait3A_763 = tpu.memref_slice %arg4[%add3A_754, %dma_wait3A_761, %dma_wait3A_762] : memref<4096x200x64xf32, #tpu.memory_space<hbm>> -> memref<1x96x64xf32, #tpu.memory_space<hbm>>
      %dma_wait3A_764 = tpu.memref_squeeze %dma_wait3A_763 : memref<1x96x64xf32, #tpu.memory_space<hbm>> -> memref<96x64xf32, #tpu.memory_space<hbm>>
      %dma_wait3A_765 = tpu.memref_slice %arg8[%dma_wait3A_756] : memref<4x!tpu.dma_semaphore, #tpu.memory_space<semaphore_mem>> -> memref<1x!tpu.dma_semaphore, #tpu.memory_space<semaphore_mem>>
      %dma_wait3A_766 = tpu.memref_squeeze %dma_wait3A_765 : memref<1x!tpu.dma_semaphore, #tpu.memory_space<semaphore_mem>> -> memref<!tpu.dma_semaphore, #tpu.memory_space<semaphore_mem>>
      %dma_wait3A_767 = arith.constant 0 : i32
      %dma_wait3A_768 = arith.constant 0 : i32
      %dma_wait3A_769 = tpu.memref_slice %arg4[%add3A_754, %dma_wait3A_767, %dma_wait3A_768] : memref<4096x200x64xf32, #tpu.memory_space<hbm>> -> memref<1x96x64xf32, #tpu.memory_space<hbm>>
      %dma_wait3A_770 = tpu.memref_squeeze %dma_wait3A_769 : memref<1x96x64xf32, #tpu.memory_space<hbm>> -> memref<96x64xf32, #tpu.memory_space<hbm>>
      %dma_wait3A_771 = arith.constant 0 : i32
      %dma_wait3A_772 = arith.constant 0 : i32
      %dma_wait3A_773 = tpu.memref_slice %arg6[%dma_wait3A_755, %dma_wait3A_771, %dma_wait3A_772] : memref<4x104x64xf32, #tpu.memory_space<vmem>> -> memref<1x96x64xf32, #tpu.memory_space<vmem>>
      %dma_wait3A_774 = tpu.memref_squeeze %dma_wait3A_773 : memref<1x96x64xf32, #tpu.memory_space<vmem>> -> memref<96x64xf32, #tpu.memory_space<vmem>>
      tpu.wait_dma2 semaphore(%dma_wait3A_766 : memref<!tpu.dma_semaphore, #tpu.memory_space<semaphore_mem>>) src(%dma_wait3A_774 : memref<96x64xf32, #tpu.memory_space<vmem>>) dst(%dma_wait3A_770 : memref<96x64xf32, #tpu.memory_space<hbm>>)
      %add3A_775 = arith.constant 2 : i32
      %add3A_776 = arith.addi %add3A_644, %add3A_775 : i32
      %jit3A_777 = arith.constant 2 : i32
      %div3A_778 = arith.divsi %add3A_776, %jit3A_777 : i32
      %sign3A_779 = arith.constant 0 : i32
      %sign3A_780 = arith.cmpi sgt, %add3A_776, %sign3A_779 : i32
      %sign3A_781 = arith.extui %sign3A_780 : i1 to i32
      %sign3A_782 = arith.constant 0 : i32
      %sign3A_783 = arith.cmpi slt, %add3A_776, %sign3A_782 : i32
      %sign3A_784 = arith.extui %sign3A_783 : i1 to i32
      %sign3A_785 = arith.subi %sign3A_781, %sign3A_784 : i32
      %sign3A_786 = arith.constant 0 : i32
      %sign3A_787 = arith.cmpi sgt, %jit3A_777, %sign3A_786 : i32
      %sign3A_788 = arith.extui %sign3A_787 : i1 to i32
      %sign3A_789 = arith.constant 0 : i32
      %sign3A_790 = arith.cmpi slt, %jit3A_777, %sign3A_789 : i32
      %sign3A_791 = arith.extui %sign3A_790 : i1 to i32
      %sign3A_792 = arith.subi %sign3A_788, %sign3A_791 : i32
      %ne3A_793 = arith.cmpi ne, %sign3A_785, %sign3A_792 : i32
      %rem3A_794 = arith.remsi %add3A_776, %jit3A_777 : i32
      %ne3A_795 = arith.constant 0 : i32
      %ne3A_796 = arith.cmpi ne, %rem3A_794, %ne3A_795 : i32
      %and3A_797 = arith.andi %ne3A_793, %ne3A_796 : i1
      %sub3A_798 = arith.constant 1 : i32
      %sub3A_799 = arith.subi %div3A_778, %sub3A_798 : i32
      %select_n3A_800 = arith.select %and3A_797, %sub3A_799, %div3A_778 : i32
      %dma_start3A_801 = arith.constant 2 : i32
      %dma_start3A_802 = arith.constant 2 : i32
      %dma_start3A_803 = arith.constant 0 : i32
      %dma_start3A_804 = arith.constant 0 : i32
      %dma_start3A_805 = tpu.memref_slice %arg6[%dma_start3A_801, %dma_start3A_803, %dma_start3A_804] : memref<4x104x64xf32, #tpu.memory_space<vmem>> -> memref<1x96x64xf32, #tpu.memory_space<vmem>>
      %dma_start3A_806 = tpu.memref_squeeze %dma_start3A_805 : memref<1x96x64xf32, #tpu.memory_space<vmem>> -> memref<96x64xf32, #tpu.memory_space<vmem>>
      %dma_start3A_807 = arith.constant 0 : i32
      %dma_start3A_808 = tpu.memref_slice %arg5[%select_n3A_800, %dma_start3A_807] : memref<128x200xi32, #tpu.memory_space<vmem>> -> memref<1x96xi32, #tpu.memory_space<vmem>>
      %dma_start3A_809 = tpu.memref_squeeze %dma_start3A_808 : memref<1x96xi32, #tpu.memory_space<vmem>> -> memref<96xi32, #tpu.memory_space<vmem>>
      %dma_start3A_810 = arith.constant 0 : i32
      %dma_start3A_811 = arith.constant 0 : i32
      %dma_start3A_812 = tpu.memref_slice %arg3[%dma_start3A_810, %dma_start3A_811] : memref<1000000x64xf32, #tpu.memory_space<hbm>> -> memref<1000000x64xf32, #tpu.memory_space<hbm>>
      %dma_start3A_813 = tpu.memref_slice %arg7[%dma_start3A_802] : memref<4x!tpu.dma_semaphore, #tpu.memory_space<semaphore_mem>> -> memref<1x!tpu.dma_semaphore, #tpu.memory_space<semaphore_mem>>
      %dma_start3A_814 = tpu.memref_squeeze %dma_start3A_813 : memref<1x!tpu.dma_semaphore, #tpu.memory_space<semaphore_mem>> -> memref<!tpu.dma_semaphore, #tpu.memory_space<semaphore_mem>>
      tpu.enqueue_indirect_dma source(%dma_start3A_812 : memref<1000000x64xf32, #tpu.memory_space<hbm>>) target(%dma_start3A_806 : memref<96x64xf32, #tpu.memory_space<vmem>>) offsets(%dma_start3A_809 : memref<96xi32, #tpu.memory_space<vmem>>) semaphore(%dma_start3A_814 : memref<!tpu.dma_semaphore, #tpu.memory_space<semaphore_mem>>)
      %add3A_815 = arith.constant 3 : i32
      %add3A_816 = arith.addi %add3A_306, %add3A_815 : i32
      %jit3A_817 = arith.constant 2 : i32
      %div3A_818 = arith.divsi %add3A_816, %jit3A_817 : i32
      %sign3A_819 = arith.constant 0 : i32
      %sign3A_820 = arith.cmpi sgt, %add3A_816, %sign3A_819 : i32
      %sign3A_821 = arith.extui %sign3A_820 : i1 to i32
      %sign3A_822 = arith.constant 0 : i32
      %sign3A_823 = arith.cmpi slt, %add3A_816, %sign3A_822 : i32
      %sign3A_824 = arith.extui %sign3A_823 : i1 to i32
      %sign3A_825 = arith.subi %sign3A_821, %sign3A_824 : i32
      %sign3A_826 = arith.constant 0 : i32
      %sign3A_827 = arith.cmpi sgt, %jit3A_817, %sign3A_826 : i32
      %sign3A_828 = arith.extui %sign3A_827 : i1 to i32
      %sign3A_829 = arith.constant 0 : i32
      %sign3A_830 = arith.cmpi slt, %jit3A_817, %sign3A_829 : i32
      %sign3A_831 = arith.extui %sign3A_830 : i1 to i32
      %sign3A_832 = arith.subi %sign3A_828, %sign3A_831 : i32
      %ne3A_833 = arith.cmpi ne, %sign3A_825, %sign3A_832 : i32
      %rem3A_834 = arith.remsi %add3A_816, %jit3A_817 : i32
      %ne3A_835 = arith.constant 0 : i32
      %ne3A_836 = arith.cmpi ne, %rem3A_834, %ne3A_835 : i32
      %and3A_837 = arith.andi %ne3A_833, %ne3A_836 : i1
      %sub3A_838 = arith.constant 1 : i32
      %sub3A_839 = arith.subi %div3A_818, %sub3A_838 : i32
      %select_n3A_840 = arith.select %and3A_837, %sub3A_839, %div3A_818 : i32
      %dma_wait3A_841 = arith.constant 1 : i32
      %dma_wait3A_842 = arith.constant 1 : i32
      %dma_wait3A_843 = arith.constant 0 : i32
      %dma_wait3A_844 = arith.constant 0 : i32
      %dma_wait3A_845 = tpu.memref_slice %arg6[%dma_wait3A_841, %dma_wait3A_843, %dma_wait3A_844] : memref<4x104x64xf32, #tpu.memory_space<vmem>> -> memref<1x104x64xf32, #tpu.memory_space<vmem>>
      %dma_wait3A_846 = tpu.memref_squeeze %dma_wait3A_845 : memref<1x104x64xf32, #tpu.memory_space<vmem>> -> memref<104x64xf32, #tpu.memory_space<vmem>>
      %dma_wait3A_847 = arith.constant 96 : i32
      %dma_wait3A_848 = tpu.memref_slice %arg5[%select_n3A_840, %dma_wait3A_847] : memref<128x200xi32, #tpu.memory_space<vmem>> -> memref<1x104xi32, #tpu.memory_space<vmem>>
      %dma_wait3A_849 = tpu.memref_squeeze %dma_wait3A_848 : memref<1x104xi32, #tpu.memory_space<vmem>> -> memref<104xi32, #tpu.memory_space<vmem>>
      %dma_wait3A_850 = arith.constant 0 : i32
      %dma_wait3A_851 = arith.constant 0 : i32
      %dma_wait3A_852 = tpu.memref_slice %arg3[%dma_wait3A_850, %dma_wait3A_851] : memref<1000000x64xf32, #tpu.memory_space<hbm>> -> memref<1000000x64xf32, #tpu.memory_space<hbm>>
      %dma_wait3A_853 = tpu.memref_slice %arg7[%dma_wait3A_842] : memref<4x!tpu.dma_semaphore, #tpu.memory_space<semaphore_mem>> -> memref<1x!tpu.dma_semaphore, #tpu.memory_space<semaphore_mem>>
      %dma_wait3A_854 = tpu.memref_squeeze %dma_wait3A_853 : memref<1x!tpu.dma_semaphore, #tpu.memory_space<semaphore_mem>> -> memref<!tpu.dma_semaphore, #tpu.memory_space<semaphore_mem>>
      tpu.wait_indirect_dma semaphore(%dma_wait3A_854 : memref<!tpu.dma_semaphore, #tpu.memory_space<semaphore_mem>>) src(%dma_wait3A_852 : memref<1000000x64xf32, #tpu.memory_space<hbm>>) dst(%dma_wait3A_846 : memref<104x64xf32, #tpu.memory_space<vmem>>)
      %jit3A_855 = arith.constant 2 : i32
      %div3A_856 = arith.divsi %add3A_816, %jit3A_855 : i32
      %sign3A_857 = arith.constant 0 : i32
      %sign3A_858 = arith.cmpi sgt, %add3A_816, %sign3A_857 : i32
      %sign3A_859 = arith.extui %sign3A_858 : i1 to i32
      %sign3A_860 = arith.constant 0 : i32
      %sign3A_861 = arith.cmpi slt, %add3A_816, %sign3A_860 : i32
      %sign3A_862 = arith.extui %sign3A_861 : i1 to i32
      %sign3A_863 = arith.subi %sign3A_859, %sign3A_862 : i32
      %sign3A_864 = arith.constant 0 : i32
      %sign3A_865 = arith.cmpi sgt, %jit3A_855, %sign3A_864 : i32
      %sign3A_866 = arith.extui %sign3A_865 : i1 to i32
      %sign3A_867 = arith.constant 0 : i32
      %sign3A_868 = arith.cmpi slt, %jit3A_855, %sign3A_867 : i32
      %sign3A_869 = arith.extui %sign3A_868 : i1 to i32
      %sign3A_870 = arith.subi %sign3A_866, %sign3A_869 : i32
      %ne3A_871 = arith.cmpi ne, %sign3A_863, %sign3A_870 : i32
      %rem3A_872 = arith.remsi %add3A_816, %jit3A_855 : i32
      %ne3A_873 = arith.constant 0 : i32
      %ne3A_874 = arith.cmpi ne, %rem3A_872, %ne3A_873 : i32
      %and3A_875 = arith.andi %ne3A_871, %ne3A_874 : i1
      %sub3A_876 = arith.constant 1 : i32
      %sub3A_877 = arith.subi %div3A_856, %sub3A_876 : i32
      %select_n3A_878 = arith.select %and3A_875, %sub3A_877, %div3A_856 : i32
      %add3A_879 = arith.addi %mul3A_2, %select_n3A_878 : i32
      %dma_start3A_880 = arith.constant 1 : i32
      %dma_start3A_881 = arith.constant 1 : i32
      %dma_start3A_882 = arith.constant 0 : i32
      %dma_start3A_883 = arith.constant 0 : i32
      %dma_start3A_884 = tpu.memref_slice %arg6[%dma_start3A_880, %dma_start3A_882, %dma_start3A_883] : memref<4x104x64xf32, #tpu.memory_space<vmem>> -> memref<1x104x64xf32, #tpu.memory_space<vmem>>
      %dma_start3A_885 = tpu.memref_squeeze %dma_start3A_884 : memref<1x104x64xf32, #tpu.memory_space<vmem>> -> memref<104x64xf32, #tpu.memory_space<vmem>>
      %dma_start3A_886 = arith.constant 96 : i32
      %dma_start3A_887 = arith.constant 0 : i32
      %dma_start3A_888 = tpu.memref_slice %arg4[%add3A_879, %dma_start3A_886, %dma_start3A_887] : memref<4096x200x64xf32, #tpu.memory_space<hbm>> -> memref<1x104x64xf32, #tpu.memory_space<hbm>>
      %dma_start3A_889 = tpu.memref_squeeze %dma_start3A_888 : memref<1x104x64xf32, #tpu.memory_space<hbm>> -> memref<104x64xf32, #tpu.memory_space<hbm>>
      %dma_start3A_890 = tpu.memref_slice %arg8[%dma_start3A_881] : memref<4x!tpu.dma_semaphore, #tpu.memory_space<semaphore_mem>> -> memref<1x!tpu.dma_semaphore, #tpu.memory_space<semaphore_mem>>
      %dma_start3A_891 = tpu.memref_squeeze %dma_start3A_890 : memref<1x!tpu.dma_semaphore, #tpu.memory_space<semaphore_mem>> -> memref<!tpu.dma_semaphore, #tpu.memory_space<semaphore_mem>>
      %dma_start3A_892 = arith.constant 96 : i32
      %dma_start3A_893 = arith.constant 0 : i32
      %dma_start3A_894 = tpu.memref_slice %arg4[%add3A_879, %dma_start3A_892, %dma_start3A_893] : memref<4096x200x64xf32, #tpu.memory_space<hbm>> -> memref<1x104x64xf32, #tpu.memory_space<hbm>>
      %dma_start3A_895 = tpu.memref_squeeze %dma_start3A_894 : memref<1x104x64xf32, #tpu.memory_space<hbm>> -> memref<104x64xf32, #tpu.memory_space<hbm>>
      %dma_start3A_896 = arith.constant 0 : i32
      %dma_start3A_897 = arith.constant 0 : i32
      %dma_start3A_898 = tpu.memref_slice %arg6[%dma_start3A_880, %dma_start3A_896, %dma_start3A_897] : memref<4x104x64xf32, #tpu.memory_space<vmem>> -> memref<1x104x64xf32, #tpu.memory_space<vmem>>
      %dma_start3A_899 = tpu.memref_squeeze %dma_start3A_898 : memref<1x104x64xf32, #tpu.memory_space<vmem>> -> memref<104x64xf32, #tpu.memory_space<vmem>>
      tpu.enqueue_dma source(%dma_start3A_899 : memref<104x64xf32, #tpu.memory_space<vmem>>) target(%dma_start3A_895 : memref<104x64xf32, #tpu.memory_space<hbm>>) target_semaphore(%dma_start3A_891 : memref<!tpu.dma_semaphore, #tpu.memory_space<semaphore_mem>>)
      %sub3A_900 = arith.constant 2 : i32
      %sub3A_901 = arith.subi %add3A_816, %sub3A_900 : i32
      %jit3A_902 = arith.constant 2 : i32
      %div3A_903 = arith.divsi %sub3A_901, %jit3A_902 : i32
      %sign3A_904 = arith.constant 0 : i32
      %sign3A_905 = arith.cmpi sgt, %sub3A_901, %sign3A_904 : i32
      %sign3A_906 = arith.extui %sign3A_905 : i1 to i32
      %sign3A_907 = arith.constant 0 : i32
      %sign3A_908 = arith.cmpi slt, %sub3A_901, %sign3A_907 : i32
      %sign3A_909 = arith.extui %sign3A_908 : i1 to i32
      %sign3A_910 = arith.subi %sign3A_906, %sign3A_909 : i32
      %sign3A_911 = arith.constant 0 : i32
      %sign3A_912 = arith.cmpi sgt, %jit3A_902, %sign3A_911 : i32
      %sign3A_913 = arith.extui %sign3A_912 : i1 to i32
      %sign3A_914 = arith.constant 0 : i32
      %sign3A_915 = arith.cmpi slt, %jit3A_902, %sign3A_914 : i32
      %sign3A_916 = arith.extui %sign3A_915 : i1 to i32
      %sign3A_917 = arith.subi %sign3A_913, %sign3A_916 : i32
      %ne3A_918 = arith.cmpi ne, %sign3A_910, %sign3A_917 : i32
      %rem3A_919 = arith.remsi %sub3A_901, %jit3A_902 : i32
      %ne3A_920 = arith.constant 0 : i32
      %ne3A_921 = arith.cmpi ne, %rem3A_919, %ne3A_920 : i32
      %and3A_922 = arith.andi %ne3A_918, %ne3A_921 : i1
      %sub3A_923 = arith.constant 1 : i32
      %sub3A_924 = arith.subi %div3A_903, %sub3A_923 : i32
      %select_n3A_925 = arith.select %and3A_922, %sub3A_924, %div3A_903 : i32
      %add3A_926 = arith.addi %mul3A_2, %select_n3A_925 : i32
      %dma_wait3A_927 = arith.constant 3 : i32
      %dma_wait3A_928 = arith.constant 3 : i32
      %dma_wait3A_929 = arith.constant 0 : i32
      %dma_wait3A_930 = arith.constant 0 : i32
      %dma_wait3A_931 = tpu.memref_slice %arg6[%dma_wait3A_927, %dma_wait3A_929, %dma_wait3A_930] : memref<4x104x64xf32, #tpu.memory_space<vmem>> -> memref<1x104x64xf32, #tpu.memory_space<vmem>>
      %dma_wait3A_932 = tpu.memref_squeeze %dma_wait3A_931 : memref<1x104x64xf32, #tpu.memory_space<vmem>> -> memref<104x64xf32, #tpu.memory_space<vmem>>
      %dma_wait3A_933 = arith.constant 96 : i32
      %dma_wait3A_934 = arith.constant 0 : i32
      %dma_wait3A_935 = tpu.memref_slice %arg4[%add3A_926, %dma_wait3A_933, %dma_wait3A_934] : memref<4096x200x64xf32, #tpu.memory_space<hbm>> -> memref<1x104x64xf32, #tpu.memory_space<hbm>>
      %dma_wait3A_936 = tpu.memref_squeeze %dma_wait3A_935 : memref<1x104x64xf32, #tpu.memory_space<hbm>> -> memref<104x64xf32, #tpu.memory_space<hbm>>
      %dma_wait3A_937 = tpu.memref_slice %arg8[%dma_wait3A_928] : memref<4x!tpu.dma_semaphore, #tpu.memory_space<semaphore_mem>> -> memref<1x!tpu.dma_semaphore, #tpu.memory_space<semaphore_mem>>
      %dma_wait3A_938 = tpu.memref_squeeze %dma_wait3A_937 : memref<1x!tpu.dma_semaphore, #tpu.memory_space<semaphore_mem>> -> memref<!tpu.dma_semaphore, #tpu.memory_space<semaphore_mem>>
      %dma_wait3A_939 = arith.constant 96 : i32
      %dma_wait3A_940 = arith.constant 0 : i32
      %dma_wait3A_941 = tpu.memref_slice %arg4[%add3A_926, %dma_wait3A_939, %dma_wait3A_940] : memref<4096x200x64xf32, #tpu.memory_space<hbm>> -> memref<1x104x64xf32, #tpu.memory_space<hbm>>
      %dma_wait3A_942 = tpu.memref_squeeze %dma_wait3A_941 : memref<1x104x64xf32, #tpu.memory_space<hbm>> -> memref<104x64xf32, #tpu.memory_space<hbm>>
      %dma_wait3A_943 = arith.constant 0 : i32
      %dma_wait3A_944 = arith.constant 0 : i32
      %dma_wait3A_945 = tpu.memref_slice %arg6[%dma_wait3A_927, %dma_wait3A_943, %dma_wait3A_944] : memref<4x104x64xf32, #tpu.memory_space<vmem>> -> memref<1x104x64xf32, #tpu.memory_space<vmem>>
      %dma_wait3A_946 = tpu.memref_squeeze %dma_wait3A_945 : memref<1x104x64xf32, #tpu.memory_space<vmem>> -> memref<104x64xf32, #tpu.memory_space<vmem>>
      tpu.wait_dma2 semaphore(%dma_wait3A_938 : memref<!tpu.dma_semaphore, #tpu.memory_space<semaphore_mem>>) src(%dma_wait3A_946 : memref<104x64xf32, #tpu.memory_space<vmem>>) dst(%dma_wait3A_942 : memref<104x64xf32, #tpu.memory_space<hbm>>)
      %add3A_947 = arith.constant 2 : i32
      %add3A_948 = arith.addi %add3A_816, %add3A_947 : i32
      %jit3A_949 = arith.constant 2 : i32
      %div3A_950 = arith.divsi %add3A_948, %jit3A_949 : i32
      %sign3A_951 = arith.constant 0 : i32
      %sign3A_952 = arith.cmpi sgt, %add3A_948, %sign3A_951 : i32
      %sign3A_953 = arith.extui %sign3A_952 : i1 to i32
      %sign3A_954 = arith.constant 0 : i32
      %sign3A_955 = arith.cmpi slt, %add3A_948, %sign3A_954 : i32
      %sign3A_956 = arith.extui %sign3A_955 : i1 to i32
      %sign3A_957 = arith.subi %sign3A_953, %sign3A_956 : i32
      %sign3A_958 = arith.constant 0 : i32
      %sign3A_959 = arith.cmpi sgt, %jit3A_949, %sign3A_958 : i32
      %sign3A_960 = arith.extui %sign3A_959 : i1 to i32
      %sign3A_961 = arith.constant 0 : i32
      %sign3A_962 = arith.cmpi slt, %jit3A_949, %sign3A_961 : i32
      %sign3A_963 = arith.extui %sign3A_962 : i1 to i32
      %sign3A_964 = arith.subi %sign3A_960, %sign3A_963 : i32
      %ne3A_965 = arith.cmpi ne, %sign3A_957, %sign3A_964 : i32
      %rem3A_966 = arith.remsi %add3A_948, %jit3A_949 : i32
      %ne3A_967 = arith.constant 0 : i32
      %ne3A_968 = arith.cmpi ne, %rem3A_966, %ne3A_967 : i32
      %and3A_969 = arith.andi %ne3A_965, %ne3A_968 : i1
      %sub3A_970 = arith.constant 1 : i32
      %sub3A_971 = arith.subi %div3A_950, %sub3A_970 : i32
      %select_n3A_972 = arith.select %and3A_969, %sub3A_971, %div3A_950 : i32
      %dma_start3A_973 = arith.constant 3 : i32
      %dma_start3A_974 = arith.constant 3 : i32
      %dma_start3A_975 = arith.constant 0 : i32
      %dma_start3A_976 = arith.constant 0 : i32
      %dma_start3A_977 = tpu.memref_slice %arg6[%dma_start3A_973, %dma_start3A_975, %dma_start3A_976] : memref<4x104x64xf32, #tpu.memory_space<vmem>> -> memref<1x104x64xf32, #tpu.memory_space<vmem>>
      %dma_start3A_978 = tpu.memref_squeeze %dma_start3A_977 : memref<1x104x64xf32, #tpu.memory_space<vmem>> -> memref<104x64xf32, #tpu.memory_space<vmem>>
      %dma_start3A_979 = arith.constant 96 : i32
      %dma_start3A_980 = tpu.memref_slice %arg5[%select_n3A_972, %dma_start3A_979] : memref<128x200xi32, #tpu.memory_space<vmem>> -> memref<1x104xi32, #tpu.memory_space<vmem>>
      %dma_start3A_981 = tpu.memref_squeeze %dma_start3A_980 : memref<1x104xi32, #tpu.memory_space<vmem>> -> memref<104xi32, #tpu.memory_space<vmem>>
      %dma_start3A_982 = arith.constant 0 : i32
      %dma_start3A_983 = arith.constant 0 : i32
      %dma_start3A_984 = tpu.memref_slice %arg3[%dma_start3A_982, %dma_start3A_983] : memref<1000000x64xf32, #tpu.memory_space<hbm>> -> memref<1000000x64xf32, #tpu.memory_space<hbm>>
      %dma_start3A_985 = tpu.memref_slice %arg7[%dma_start3A_974] : memref<4x!tpu.dma_semaphore, #tpu.memory_space<semaphore_mem>> -> memref<1x!tpu.dma_semaphore, #tpu.memory_space<semaphore_mem>>
      %dma_start3A_986 = tpu.memref_squeeze %dma_start3A_985 : memref<1x!tpu.dma_semaphore, #tpu.memory_space<semaphore_mem>> -> memref<!tpu.dma_semaphore, #tpu.memory_space<semaphore_mem>>
      tpu.enqueue_indirect_dma source(%dma_start3A_984 : memref<1000000x64xf32, #tpu.memory_space<hbm>>) target(%dma_start3A_978 : memref<104x64xf32, #tpu.memory_space<vmem>>) offsets(%dma_start3A_981 : memref<104xi32, #tpu.memory_space<vmem>>) semaphore(%dma_start3A_986 : memref<!tpu.dma_semaphore, #tpu.memory_space<semaphore_mem>>)
    }
    %scan3A_139 = arith.constant 63 : i32
    %dma_wait3A_140 = arith.constant 127 : i32
    %dma_wait3A_141 = arith.constant 2 : i32
    %dma_wait3A_142 = arith.constant 2 : i32
    %dma_wait3A_143 = arith.constant 0 : i32
    %dma_wait3A_144 = arith.constant 0 : i32
    %dma_wait3A_145 = tpu.memref_slice %arg6[%dma_wait3A_141, %dma_wait3A_143, %dma_wait3A_144] : memref<4x104x64xf32, #tpu.memory_space<vmem>> -> memref<1x96x64xf32, #tpu.memory_space<vmem>>
    %dma_wait3A_146 = tpu.memref_squeeze %dma_wait3A_145 : memref<1x96x64xf32, #tpu.memory_space<vmem>> -> memref<96x64xf32, #tpu.memory_space<vmem>>
    %dma_wait3A_147 = arith.constant 0 : i32
    %dma_wait3A_148 = tpu.memref_slice %arg5[%dma_wait3A_140, %dma_wait3A_147] : memref<128x200xi32, #tpu.memory_space<vmem>> -> memref<1x96xi32, #tpu.memory_space<vmem>>
    %dma_wait3A_149 = tpu.memref_squeeze %dma_wait3A_148 : memref<1x96xi32, #tpu.memory_space<vmem>> -> memref<96xi32, #tpu.memory_space<vmem>>
    %dma_wait3A_150 = arith.constant 0 : i32
    %dma_wait3A_151 = arith.constant 0 : i32
    %dma_wait3A_152 = tpu.memref_slice %arg3[%dma_wait3A_150, %dma_wait3A_151] : memref<1000000x64xf32, #tpu.memory_space<hbm>> -> memref<1000000x64xf32, #tpu.memory_space<hbm>>
    %dma_wait3A_153 = tpu.memref_slice %arg7[%dma_wait3A_142] : memref<4x!tpu.dma_semaphore, #tpu.memory_space<semaphore_mem>> -> memref<1x!tpu.dma_semaphore, #tpu.memory_space<semaphore_mem>>
    %dma_wait3A_154 = tpu.memref_squeeze %dma_wait3A_153 : memref<1x!tpu.dma_semaphore, #tpu.memory_space<semaphore_mem>> -> memref<!tpu.dma_semaphore, #tpu.memory_space<semaphore_mem>>
    tpu.wait_indirect_dma semaphore(%dma_wait3A_154 : memref<!tpu.dma_semaphore, #tpu.memory_space<semaphore_mem>>) src(%dma_wait3A_152 : memref<1000000x64xf32, #tpu.memory_space<hbm>>) dst(%dma_wait3A_146 : memref<96x64xf32, #tpu.memory_space<vmem>>)
    %add3A_155 = arith.constant 127 : i32
    %add3A_156 = arith.addi %mul3A_2, %add3A_155 : i32
    %dma_start3A_157 = arith.constant 2 : i32
    %dma_start3A_158 = arith.constant 2 : i32
    %dma_start3A_159 = arith.constant 0 : i32
    %dma_start3A_160 = arith.constant 0 : i32
    %dma_start3A_161 = tpu.memref_slice %arg6[%dma_start3A_157, %dma_start3A_159, %dma_start3A_160] : memref<4x104x64xf32, #tpu.memory_space<vmem>> -> memref<1x96x64xf32, #tpu.memory_space<vmem>>
    %dma_start3A_162 = tpu.memref_squeeze %dma_start3A_161 : memref<1x96x64xf32, #tpu.memory_space<vmem>> -> memref<96x64xf32, #tpu.memory_space<vmem>>
    %dma_start3A_163 = arith.constant 0 : i32
    %dma_start3A_164 = arith.constant 0 : i32
    %dma_start3A_165 = tpu.memref_slice %arg4[%add3A_156, %dma_start3A_163, %dma_start3A_164] : memref<4096x200x64xf32, #tpu.memory_space<hbm>> -> memref<1x96x64xf32, #tpu.memory_space<hbm>>
    %dma_start3A_166 = tpu.memref_squeeze %dma_start3A_165 : memref<1x96x64xf32, #tpu.memory_space<hbm>> -> memref<96x64xf32, #tpu.memory_space<hbm>>
    %dma_start3A_167 = tpu.memref_slice %arg8[%dma_start3A_158] : memref<4x!tpu.dma_semaphore, #tpu.memory_space<semaphore_mem>> -> memref<1x!tpu.dma_semaphore, #tpu.memory_space<semaphore_mem>>
    %dma_start3A_168 = tpu.memref_squeeze %dma_start3A_167 : memref<1x!tpu.dma_semaphore, #tpu.memory_space<semaphore_mem>> -> memref<!tpu.dma_semaphore, #tpu.memory_space<semaphore_mem>>
    %dma_start3A_169 = arith.constant 0 : i32
    %dma_start3A_170 = arith.constant 0 : i32
    %dma_start3A_171 = tpu.memref_slice %arg4[%add3A_156, %dma_start3A_169, %dma_start3A_170] : memref<4096x200x64xf32, #tpu.memory_space<hbm>> -> memref<1x96x64xf32, #tpu.memory_space<hbm>>
    %dma_start3A_172 = tpu.memref_squeeze %dma_start3A_171 : memref<1x96x64xf32, #tpu.memory_space<hbm>> -> memref<96x64xf32, #tpu.memory_space<hbm>>
    %dma_start3A_173 = arith.constant 0 : i32
    %dma_start3A_174 = arith.constant 0 : i32
    %dma_start3A_175 = tpu.memref_slice %arg6[%dma_start3A_157, %dma_start3A_173, %dma_start3A_174] : memref<4x104x64xf32, #tpu.memory_space<vmem>> -> memref<1x96x64xf32, #tpu.memory_space<vmem>>
    %dma_start3A_176 = tpu.memref_squeeze %dma_start3A_175 : memref<1x96x64xf32, #tpu.memory_space<vmem>> -> memref<96x64xf32, #tpu.memory_space<vmem>>
    tpu.enqueue_dma source(%dma_start3A_176 : memref<96x64xf32, #tpu.memory_space<vmem>>) target(%dma_start3A_172 : memref<96x64xf32, #tpu.memory_space<hbm>>) target_semaphore(%dma_start3A_168 : memref<!tpu.dma_semaphore, #tpu.memory_space<semaphore_mem>>)
    %dma_wait3A_177 = arith.constant 127 : i32
    %dma_wait3A_178 = arith.constant 3 : i32
    %dma_wait3A_179 = arith.constant 3 : i32
    %dma_wait3A_180 = arith.constant 0 : i32
    %dma_wait3A_181 = arith.constant 0 : i32
    %dma_wait3A_182 = tpu.memref_slice %arg6[%dma_wait3A_178, %dma_wait3A_180, %dma_wait3A_181] : memref<4x104x64xf32, #tpu.memory_space<vmem>> -> memref<1x104x64xf32, #tpu.memory_space<vmem>>
    %dma_wait3A_183 = tpu.memref_squeeze %dma_wait3A_182 : memref<1x104x64xf32, #tpu.memory_space<vmem>> -> memref<104x64xf32, #tpu.memory_space<vmem>>
    %dma_wait3A_184 = arith.constant 96 : i32
    %dma_wait3A_185 = tpu.memref_slice %arg5[%dma_wait3A_177, %dma_wait3A_184] : memref<128x200xi32, #tpu.memory_space<vmem>> -> memref<1x104xi32, #tpu.memory_space<vmem>>
    %dma_wait3A_186 = tpu.memref_squeeze %dma_wait3A_185 : memref<1x104xi32, #tpu.memory_space<vmem>> -> memref<104xi32, #tpu.memory_space<vmem>>
    %dma_wait3A_187 = arith.constant 0 : i32
    %dma_wait3A_188 = arith.constant 0 : i32
    %dma_wait3A_189 = tpu.memref_slice %arg3[%dma_wait3A_187, %dma_wait3A_188] : memref<1000000x64xf32, #tpu.memory_space<hbm>> -> memref<1000000x64xf32, #tpu.memory_space<hbm>>
    %dma_wait3A_190 = tpu.memref_slice %arg7[%dma_wait3A_179] : memref<4x!tpu.dma_semaphore, #tpu.memory_space<semaphore_mem>> -> memref<1x!tpu.dma_semaphore, #tpu.memory_space<semaphore_mem>>
    %dma_wait3A_191 = tpu.memref_squeeze %dma_wait3A_190 : memref<1x!tpu.dma_semaphore, #tpu.memory_space<semaphore_mem>> -> memref<!tpu.dma_semaphore, #tpu.memory_space<semaphore_mem>>
    tpu.wait_indirect_dma semaphore(%dma_wait3A_191 : memref<!tpu.dma_semaphore, #tpu.memory_space<semaphore_mem>>) src(%dma_wait3A_189 : memref<1000000x64xf32, #tpu.memory_space<hbm>>) dst(%dma_wait3A_183 : memref<104x64xf32, #tpu.memory_space<vmem>>)
    %add3A_192 = arith.constant 127 : i32
    %add3A_193 = arith.addi %mul3A_2, %add3A_192 : i32
    %dma_start3A_194 = arith.constant 3 : i32
    %dma_start3A_195 = arith.constant 3 : i32
    %dma_start3A_196 = arith.constant 0 : i32
    %dma_start3A_197 = arith.constant 0 : i32
    %dma_start3A_198 = tpu.memref_slice %arg6[%dma_start3A_194, %dma_start3A_196, %dma_start3A_197] : memref<4x104x64xf32, #tpu.memory_space<vmem>> -> memref<1x104x64xf32, #tpu.memory_space<vmem>>
    %dma_start3A_199 = tpu.memref_squeeze %dma_start3A_198 : memref<1x104x64xf32, #tpu.memory_space<vmem>> -> memref<104x64xf32, #tpu.memory_space<vmem>>
    %dma_start3A_200 = arith.constant 96 : i32
    %dma_start3A_201 = arith.constant 0 : i32
    %dma_start3A_202 = tpu.memref_slice %arg4[%add3A_193, %dma_start3A_200, %dma_start3A_201] : memref<4096x200x64xf32, #tpu.memory_space<hbm>> -> memref<1x104x64xf32, #tpu.memory_space<hbm>>
    %dma_start3A_203 = tpu.memref_squeeze %dma_start3A_202 : memref<1x104x64xf32, #tpu.memory_space<hbm>> -> memref<104x64xf32, #tpu.memory_space<hbm>>
    %dma_start3A_204 = tpu.memref_slice %arg8[%dma_start3A_195] : memref<4x!tpu.dma_semaphore, #tpu.memory_space<semaphore_mem>> -> memref<1x!tpu.dma_semaphore, #tpu.memory_space<semaphore_mem>>
    %dma_start3A_205 = tpu.memref_squeeze %dma_start3A_204 : memref<1x!tpu.dma_semaphore, #tpu.memory_space<semaphore_mem>> -> memref<!tpu.dma_semaphore, #tpu.memory_space<semaphore_mem>>
    %dma_start3A_206 = arith.constant 96 : i32
    %dma_start3A_207 = arith.constant 0 : i32
    %dma_start3A_208 = tpu.memref_slice %arg4[%add3A_193, %dma_start3A_206, %dma_start3A_207] : memref<4096x200x64xf32, #tpu.memory_space<hbm>> -> memref<1x104x64xf32, #tpu.memory_space<hbm>>
    %dma_start3A_209 = tpu.memref_squeeze %dma_start3A_208 : memref<1x104x64xf32, #tpu.memory_space<hbm>> -> memref<104x64xf32, #tpu.memory_space<hbm>>
    %dma_start3A_210 = arith.constant 0 : i32
    %dma_start3A_211 = arith.constant 0 : i32
    %dma_start3A_212 = tpu.memref_slice %arg6[%dma_start3A_194, %dma_start3A_210, %dma_start3A_211] : memref<4x104x64xf32, #tpu.memory_space<vmem>> -> memref<1x104x64xf32, #tpu.memory_space<vmem>>
    %dma_start3A_213 = tpu.memref_squeeze %dma_start3A_212 : memref<1x104x64xf32, #tpu.memory_space<vmem>> -> memref<104x64xf32, #tpu.memory_space<vmem>>
    tpu.enqueue_dma source(%dma_start3A_213 : memref<104x64xf32, #tpu.memory_space<vmem>>) target(%dma_start3A_209 : memref<104x64xf32, #tpu.memory_space<hbm>>) target_semaphore(%dma_start3A_205 : memref<!tpu.dma_semaphore, #tpu.memory_space<semaphore_mem>>)
    %add3A_214 = arith.constant 126 : i32
    %add3A_215 = arith.addi %mul3A_2, %add3A_214 : i32
    %dma_wait3A_216 = arith.constant 0 : i32
    %dma_wait3A_217 = arith.constant 0 : i32
    %dma_wait3A_218 = arith.constant 0 : i32
    %dma_wait3A_219 = arith.constant 0 : i32
    %dma_wait3A_220 = tpu.memref_slice %arg6[%dma_wait3A_216, %dma_wait3A_218, %dma_wait3A_219] : memref<4x104x64xf32, #tpu.memory_space<vmem>> -> memref<1x96x64xf32, #tpu.memory_space<vmem>>
    %dma_wait3A_221 = tpu.memref_squeeze %dma_wait3A_220 : memref<1x96x64xf32, #tpu.memory_space<vmem>> -> memref<96x64xf32, #tpu.memory_space<vmem>>
    %dma_wait3A_222 = arith.constant 0 : i32
    %dma_wait3A_223 = arith.constant 0 : i32
    %dma_wait3A_224 = tpu.memref_slice %arg4[%add3A_215, %dma_wait3A_222, %dma_wait3A_223] : memref<4096x200x64xf32, #tpu.memory_space<hbm>> -> memref<1x96x64xf32, #tpu.memory_space<hbm>>
    %dma_wait3A_225 = tpu.memref_squeeze %dma_wait3A_224 : memref<1x96x64xf32, #tpu.memory_space<hbm>> -> memref<96x64xf32, #tpu.memory_space<hbm>>
    %dma_wait3A_226 = tpu.memref_slice %arg8[%dma_wait3A_217] : memref<4x!tpu.dma_semaphore, #tpu.memory_space<semaphore_mem>> -> memref<1x!tpu.dma_semaphore, #tpu.memory_space<semaphore_mem>>
    %dma_wait3A_227 = tpu.memref_squeeze %dma_wait3A_226 : memref<1x!tpu.dma_semaphore, #tpu.memory_space<semaphore_mem>> -> memref<!tpu.dma_semaphore, #tpu.memory_space<semaphore_mem>>
    %dma_wait3A_228 = arith.constant 0 : i32
    %dma_wait3A_229 = arith.constant 0 : i32
    %dma_wait3A_230 = tpu.memref_slice %arg4[%add3A_215, %dma_wait3A_228, %dma_wait3A_229] : memref<4096x200x64xf32, #tpu.memory_space<hbm>> -> memref<1x96x64xf32, #tpu.memory_space<hbm>>
    %dma_wait3A_231 = tpu.memref_squeeze %dma_wait3A_230 : memref<1x96x64xf32, #tpu.memory_space<hbm>> -> memref<96x64xf32, #tpu.memory_space<hbm>>
    %dma_wait3A_232 = arith.constant 0 : i32
    %dma_wait3A_233 = arith.constant 0 : i32
    %dma_wait3A_234 = tpu.memref_slice %arg6[%dma_wait3A_216, %dma_wait3A_232, %dma_wait3A_233] : memref<4x104x64xf32, #tpu.memory_space<vmem>> -> memref<1x96x64xf32, #tpu.memory_space<vmem>>
    %dma_wait3A_235 = tpu.memref_squeeze %dma_wait3A_234 : memref<1x96x64xf32, #tpu.memory_space<vmem>> -> memref<96x64xf32, #tpu.memory_space<vmem>>
    tpu.wait_dma2 semaphore(%dma_wait3A_227 : memref<!tpu.dma_semaphore, #tpu.memory_space<semaphore_mem>>) src(%dma_wait3A_235 : memref<96x64xf32, #tpu.memory_space<vmem>>) dst(%dma_wait3A_231 : memref<96x64xf32, #tpu.memory_space<hbm>>)
    %add3A_236 = arith.constant 126 : i32
    %add3A_237 = arith.addi %mul3A_2, %add3A_236 : i32
    %dma_wait3A_238 = arith.constant 1 : i32
    %dma_wait3A_239 = arith.constant 1 : i32
    %dma_wait3A_240 = arith.constant 0 : i32
    %dma_wait3A_241 = arith.constant 0 : i32
    %dma_wait3A_242 = tpu.memref_slice %arg6[%dma_wait3A_238, %dma_wait3A_240, %dma_wait3A_241] : memref<4x104x64xf32, #tpu.memory_space<vmem>> -> memref<1x104x64xf32, #tpu.memory_space<vmem>>
    %dma_wait3A_243 = tpu.memref_squeeze %dma_wait3A_242 : memref<1x104x64xf32, #tpu.memory_space<vmem>> -> memref<104x64xf32, #tpu.memory_space<vmem>>
    %dma_wait3A_244 = arith.constant 96 : i32
    %dma_wait3A_245 = arith.constant 0 : i32
    %dma_wait3A_246 = tpu.memref_slice %arg4[%add3A_237, %dma_wait3A_244, %dma_wait3A_245] : memref<4096x200x64xf32, #tpu.memory_space<hbm>> -> memref<1x104x64xf32, #tpu.memory_space<hbm>>
    %dma_wait3A_247 = tpu.memref_squeeze %dma_wait3A_246 : memref<1x104x64xf32, #tpu.memory_space<hbm>> -> memref<104x64xf32, #tpu.memory_space<hbm>>
    %dma_wait3A_248 = tpu.memref_slice %arg8[%dma_wait3A_239] : memref<4x!tpu.dma_semaphore, #tpu.memory_space<semaphore_mem>> -> memref<1x!tpu.dma_semaphore, #tpu.memory_space<semaphore_mem>>
    %dma_wait3A_249 = tpu.memref_squeeze %dma_wait3A_248 : memref<1x!tpu.dma_semaphore, #tpu.memory_space<semaphore_mem>> -> memref<!tpu.dma_semaphore, #tpu.memory_space<semaphore_mem>>
    %dma_wait3A_250 = arith.constant 96 : i32
    %dma_wait3A_251 = arith.constant 0 : i32
    %dma_wait3A_252 = tpu.memref_slice %arg4[%add3A_237, %dma_wait3A_250, %dma_wait3A_251] : memref<4096x200x64xf32, #tpu.memory_space<hbm>> -> memref<1x104x64xf32, #tpu.memory_space<hbm>>
    %dma_wait3A_253 = tpu.memref_squeeze %dma_wait3A_252 : memref<1x104x64xf32, #tpu.memory_space<hbm>> -> memref<104x64xf32, #tpu.memory_space<hbm>>
    %dma_wait3A_254 = arith.constant 0 : i32
    %dma_wait3A_255 = arith.constant 0 : i32
    %dma_wait3A_256 = tpu.memref_slice %arg6[%dma_wait3A_238, %dma_wait3A_254, %dma_wait3A_255] : memref<4x104x64xf32, #tpu.memory_space<vmem>> -> memref<1x104x64xf32, #tpu.memory_space<vmem>>
    %dma_wait3A_257 = tpu.memref_squeeze %dma_wait3A_256 : memref<1x104x64xf32, #tpu.memory_space<vmem>> -> memref<104x64xf32, #tpu.memory_space<vmem>>
    tpu.wait_dma2 semaphore(%dma_wait3A_249 : memref<!tpu.dma_semaphore, #tpu.memory_space<semaphore_mem>>) src(%dma_wait3A_257 : memref<104x64xf32, #tpu.memory_space<vmem>>) dst(%dma_wait3A_253 : memref<104x64xf32, #tpu.memory_space<hbm>>)
    %add3A_258 = arith.constant 127 : i32
    %add3A_259 = arith.addi %mul3A_2, %add3A_258 : i32
    %dma_wait3A_260 = arith.constant 2 : i32
    %dma_wait3A_261 = arith.constant 2 : i32
    %dma_wait3A_262 = arith.constant 0 : i32
    %dma_wait3A_263 = arith.constant 0 : i32
    %dma_wait3A_264 = tpu.memref_slice %arg6[%dma_wait3A_260, %dma_wait3A_262, %dma_wait3A_263] : memref<4x104x64xf32, #tpu.memory_space<vmem>> -> memref<1x96x64xf32, #tpu.memory_space<vmem>>
    %dma_wait3A_265 = tpu.memref_squeeze %dma_wait3A_264 : memref<1x96x64xf32, #tpu.memory_space<vmem>> -> memref<96x64xf32, #tpu.memory_space<vmem>>
    %dma_wait3A_266 = arith.constant 0 : i32
    %dma_wait3A_267 = arith.constant 0 : i32
    %dma_wait3A_268 = tpu.memref_slice %arg4[%add3A_259, %dma_wait3A_266, %dma_wait3A_267] : memref<4096x200x64xf32, #tpu.memory_space<hbm>> -> memref<1x96x64xf32, #tpu.memory_space<hbm>>
    %dma_wait3A_269 = tpu.memref_squeeze %dma_wait3A_268 : memref<1x96x64xf32, #tpu.memory_space<hbm>> -> memref<96x64xf32, #tpu.memory_space<hbm>>
    %dma_wait3A_270 = tpu.memref_slice %arg8[%dma_wait3A_261] : memref<4x!tpu.dma_semaphore, #tpu.memory_space<semaphore_mem>> -> memref<1x!tpu.dma_semaphore, #tpu.memory_space<semaphore_mem>>
    %dma_wait3A_271 = tpu.memref_squeeze %dma_wait3A_270 : memref<1x!tpu.dma_semaphore, #tpu.memory_space<semaphore_mem>> -> memref<!tpu.dma_semaphore, #tpu.memory_space<semaphore_mem>>
    %dma_wait3A_272 = arith.constant 0 : i32
    %dma_wait3A_273 = arith.constant 0 : i32
    %dma_wait3A_274 = tpu.memref_slice %arg4[%add3A_259, %dma_wait3A_272, %dma_wait3A_273] : memref<4096x200x64xf32, #tpu.memory_space<hbm>> -> memref<1x96x64xf32, #tpu.memory_space<hbm>>
    %dma_wait3A_275 = tpu.memref_squeeze %dma_wait3A_274 : memref<1x96x64xf32, #tpu.memory_space<hbm>> -> memref<96x64xf32, #tpu.memory_space<hbm>>
    %dma_wait3A_276 = arith.constant 0 : i32
    %dma_wait3A_277 = arith.constant 0 : i32
    %dma_wait3A_278 = tpu.memref_slice %arg6[%dma_wait3A_260, %dma_wait3A_276, %dma_wait3A_277] : memref<4x104x64xf32, #tpu.memory_space<vmem>> -> memref<1x96x64xf32, #tpu.memory_space<vmem>>
    %dma_wait3A_279 = tpu.memref_squeeze %dma_wait3A_278 : memref<1x96x64xf32, #tpu.memory_space<vmem>> -> memref<96x64xf32, #tpu.memory_space<vmem>>
    tpu.wait_dma2 semaphore(%dma_wait3A_271 : memref<!tpu.dma_semaphore, #tpu.memory_space<semaphore_mem>>) src(%dma_wait3A_279 : memref<96x64xf32, #tpu.memory_space<vmem>>) dst(%dma_wait3A_275 : memref<96x64xf32, #tpu.memory_space<hbm>>)
    %add3A_280 = arith.constant 127 : i32
    %add3A_281 = arith.addi %mul3A_2, %add3A_280 : i32
    %dma_wait3A_282 = arith.constant 3 : i32
    %dma_wait3A_283 = arith.constant 3 : i32
    %dma_wait3A_284 = arith.constant 0 : i32
    %dma_wait3A_285 = arith.constant 0 : i32
    %dma_wait3A_286 = tpu.memref_slice %arg6[%dma_wait3A_282, %dma_wait3A_284, %dma_wait3A_285] : memref<4x104x64xf32, #tpu.memory_space<vmem>> -> memref<1x104x64xf32, #tpu.memory_space<vmem>>
    %dma_wait3A_287 = tpu.memref_squeeze %dma_wait3A_286 : memref<1x104x64xf32, #tpu.memory_space<vmem>> -> memref<104x64xf32, #tpu.memory_space<vmem>>
    %dma_wait3A_288 = arith.constant 96 : i32
    %dma_wait3A_289 = arith.constant 0 : i32
    %dma_wait3A_290 = tpu.memref_slice %arg4[%add3A_281, %dma_wait3A_288, %dma_wait3A_289] : memref<4096x200x64xf32, #tpu.memory_space<hbm>> -> memref<1x104x64xf32, #tpu.memory_space<hbm>>
    %dma_wait3A_291 = tpu.memref_squeeze %dma_wait3A_290 : memref<1x104x64xf32, #tpu.memory_space<hbm>> -> memref<104x64xf32, #tpu.memory_space<hbm>>
    %dma_wait3A_292 = tpu.memref_slice %arg8[%dma_wait3A_283] : memref<4x!tpu.dma_semaphore, #tpu.memory_space<semaphore_mem>> -> memref<1x!tpu.dma_semaphore, #tpu.memory_space<semaphore_mem>>
    %dma_wait3A_293 = tpu.memref_squeeze %dma_wait3A_292 : memref<1x!tpu.dma_semaphore, #tpu.memory_space<semaphore_mem>> -> memref<!tpu.dma_semaphore, #tpu.memory_space<semaphore_mem>>
    %dma_wait3A_294 = arith.constant 96 : i32
    %dma_wait3A_295 = arith.constant 0 : i32
    %dma_wait3A_296 = tpu.memref_slice %arg4[%add3A_281, %dma_wait3A_294, %dma_wait3A_295] : memref<4096x200x64xf32, #tpu.memory_space<hbm>> -> memref<1x104x64xf32, #tpu.memory_space<hbm>>
    %dma_wait3A_297 = tpu.memref_squeeze %dma_wait3A_296 : memref<1x104x64xf32, #tpu.memory_space<hbm>> -> memref<104x64xf32, #tpu.memory_space<hbm>>
    %dma_wait3A_298 = arith.constant 0 : i32
    %dma_wait3A_299 = arith.constant 0 : i32
    %dma_wait3A_300 = tpu.memref_slice %arg6[%dma_wait3A_282, %dma_wait3A_298, %dma_wait3A_299] : memref<4x104x64xf32, #tpu.memory_space<vmem>> -> memref<1x104x64xf32, #tpu.memory_space<vmem>>
    %dma_wait3A_301 = tpu.memref_squeeze %dma_wait3A_300 : memref<1x104x64xf32, #tpu.memory_space<vmem>> -> memref<104x64xf32, #tpu.memory_space<vmem>>
    tpu.wait_dma2 semaphore(%dma_wait3A_293 : memref<!tpu.dma_semaphore, #tpu.memory_space<semaphore_mem>>) src(%dma_wait3A_301 : memref<104x64xf32, #tpu.memory_space<vmem>>) dst(%dma_wait3A_297 : memref<104x64xf32, #tpu.memory_space<hbm>>)
    return
  }
}

</mosaic_0001>

<sc_bundles>
// kernel: kernel.3.cloned.1.call-start
scs
__scs_entry_jumppad:
0x0: {  	(pc) =	sbr.rel $0x88, $3  }
0x1: {  	(tag) =	ssettag $0x0;
	lr =	simm.s32 $0x1  }
0x2: {  	[smem:$0x3F9F] =	sst lr;
	_ =	strace $0xD0000000  }
0x3: {  	_ = 	snop  }
0x4: {  	_ = 	snop  }
0x5: {  	_ = 	snop  }
0x6: {  	_ = 	snop  }
0x7: {  	_ = 	snop  }
__scs_overlays_trampoline_lowered:
0x8: {  	[smem:$0x3FAE] =	sst s0  }
0x9: {  	[smem:$0x3FAF] =	sst s1  }
0xa: {  	[smem:$0x3FB0] =	sst s2  }
0xb: {  	[smem:$0x3FB1] =	sst s3  }
0xc: {  	[smem:$0x3FB2] =	sst s4  }
0xd: {  	[smem:$0x3FB3] =	sst s5  }
0xe: {  	[smem:$0x3FB4] =	sst s6  }
0xf: {  	[smem:$0x3FB5] =	sst s7  }
0x10: {  	[smem:$0x3FB6] =	sst s8  }
0x11: {  	[smem:$0x3FB7] =	sst s9;
	s0 =	simm.s32 @!p0 $0x0  }
0x12: {  	s1 =	sld [smem:$0x3F9D];
	s0 =	simm.s32 @p0 $0x1  }
0x13: {  	[smem:$0x3FB8] =	sst s0;
	s0 =	simm.s32 @!p1 $0x0  }
0x14: {  	s2 =	sld [smem:$0x3F9C];
	s0 =	simm.s32 @p1 $0x1  }
0x15: {  	[smem:$0x3FB9] =	sst s0;
	s0 =	simm.s32 @!p2 $0x0  }
0x16: {  	s3 =	sld [smem:$0x3FDB];
	s0 =	simm.s32 @p2 $0x1  }
0x17: {  	s4 =	simm.s32 $0x1BF5;
	[smem:$0x3FBB] =	sst s0  }
0x18: {  	s0 =	sld [smem:$0x3F9E];
	_ =	swait.ge [sflag:s4], $0x0  }
0x19: {  	s7 =	sld [smem:$0x3F9F]  }
0x1a: {  	s8 =	sadd.s32 $0xFFFFE003, lr  }
0x1b: {  	s9 =	sadd.s32 $0xFFFFFEF7, lr;
	s5 =	simm.s32 $0xFFFFFFFF;
	p2 =	slt.u32 s8, $0xFFFFF086  }
0x1c: {  	p1 =	slt.u32 s9, $0xF7A;
	s5 =	simm.s32 @!p2 $0x0  }
0x1d: {  	s5 =	simm.s32 @p1 $0x1;
	p0 =	seq.s32 s7, s2  }
0x1e: {  	s7 =	smul.u32 @!p0 $0xF7A, s2;
	p2 =	seq.s32 @!p0 s5, $0x0  }
0x1f: {  	s9 =	smul.u32 $0xF7A, s1;
	s8 =	simm.s32 @!p0 $0x1BF5;
	p2 =	por !p2, p0  }
0x20: {  	[sflag:s8] =	ssyncset.s32 @!p0 $0xFFFFF086;
	s6 =	sadd.s32 @!p0 s3, s7;
	s7 =	simm.s32 @!p0 $0x108  }
0x21: {  	s3 =	sadd.s32 s3, s9;
	s6 =	sadd.s32 @!p0 $0x88, s6;
	s7 =	simm.s32 @p2 $0x1082  }
0x22: {  	[simem:s7], [sflag:s8] =	dma.local @!p0 [hbm:s6], $0xF7A  }
0x23: {  	s9 =	sor.u32 $0xD0000000, s2;
	s6 =	simm.s32 $0x108;
	_ =	swait.ge @!p0 [sflag:s8], $0x0  }
0x24: {  	s3 =	sadd.s32 $0x88, s3;
	s6 =	simm.s32 @!p1 $0x1082;
	[sflag:s4] =	ssyncset.s32 $0xFFFFF086  }
0x25: {  	[simem:s6], [sflag:s4] =	dma.local [hbm:s3], $0xF7A  }
0x26: {  	[smem:$0x3F9F] =	sst s1;
	(tag) =	ssettag s2;
	_ =	strace s9  }
0x27: {  	s1 =	sld [smem:$0x3FAF]  }
0x28: {  	s2 =	sld [smem:$0x3FB0]  }
0x29: {  	s4 =	sld [smem:$0x3FB2]  }
0x2a: {  	p0 =	seq.s32 s5, $0x0;
	s5 =	sld [smem:$0x3FB3]  }
0x2b: {  	s6 =	sld [smem:$0x3FB4]  }
0x2c: {  	s7 =	sld [smem:$0x3FB5]  }
0x2d: {  	s3 =	simm.s32 $0x108;
	s8 =	sld [smem:$0x3FB6]  }
0x2e: {  	s3 =	simm.s32 @!p0 $0x1082;
	s9 =	sld [smem:$0x3FB7]  }
0x2f: {  	lr =	sadd.s32 s0, s3;
	s0 =	sld [smem:$0x3FAE]  }
0x30: {  	s3 =	sld [smem:$0x3FB1]  }
0x31: {  	[smem:$0x3FBA] =	sst s10  }
0x32: {  	s10 =	sld [smem:$0x3FB8];
	_ =	sdelay $0x3  }
0x33: {  	p0 =	seq.s32 s10, $0x1;
	s10 =	sld [smem:$0x3FBA];
	_ =	sdelay $0x3  }
0x34: {  	[smem:$0x3FBA] =	sst s10  }
0x35: {  	s10 =	sld [smem:$0x3FB9];
	_ =	sdelay $0x3  }
0x36: {  	p1 =	seq.s32 s10, $0x1;
	s10 =	sld [smem:$0x3FBA];
	_ =	sdelay $0x3  }
0x37: {  	[smem:$0x3FBA] =	sst s10  }
0x38: {  	s10 =	sld [smem:$0x3FBB]  }
0x39: {  	_ = 	snop;
	(pc) =	sbr.ind lr, $3  }
0x3a: {  	_ = 	snop  }
0x3b: {  	_ = 	snop  }
0x3c: {  	p2 =	seq.s32 s10, $0x1;
	s10 =	sld [smem:$0x3FBA]  }
0x3d: {  	_ =	shalt  }
0x3e: {  	_ =	shalt  }
0x3f: {  	_ =	shalt  }
0x40: {  	_ =	shalt  }
0x41: {  	_ =	shalt  }
0x42: {  	_ =	shalt  }
0x43: {  	_ =	shalt  }
0x44: {  	_ =	shalt  }
0x45: {  	_ =	shalt  }
0x46: {  	_ =	shalt  }
0x47: {  	_ =	shalt  }
0x48: {  	_ =	shalt  }
0x49: {  	_ =	shalt  }
0x4a: {  	_ =	shalt  }
0x4b: {  	_ =	shalt  }
0x4c: {  	_ =	shalt  }
0x4d: {  	_ =	shalt  }
0x4e: {  	_ =	shalt  }
0x4f: {  	_ =	shalt  }
0x50: {  	_ =	shalt  }
0x51: {  	_ =	shalt  }
0x52: {  	_ =	shalt  }
0x53: {  	_ =	shalt  }
0x54: {  	_ =	shalt  }
0x55: {  	_ =	shalt  }
0x56: {  	_ =	shalt  }
0x57: {  	_ =	shalt  }
0x58: {  	_ =	shalt  }
0x59: {  	_ =	shalt  }
0x5a: {  	_ =	shalt  }
0x5b: {  	_ =	shalt  }
0x5c: {  	_ =	shalt  }
0x5d: {  	_ =	shalt  }
0x5e: {  	_ =	shalt  }
0x5f: {  	_ =	shalt  }
0x60: {  	_ =	shalt  }
0x61: {  	_ =	shalt  }
0x62: {  	_ =	shalt  }
0x63: {  	_ =	shalt  }
0x64: {  	_ =	shalt  }
0x65: {  	_ =	shalt  }
0x66: {  	_ =	shalt  }
0x67: {  	_ =	shalt  }
0x68: {  	_ =	shalt  }
0x69: {  	_ =	shalt  }
0x6a: {  	_ =	shalt  }
0x6b: {  	_ =	shalt  }
0x6c: {  	_ =	shalt  }
0x6d: {  	_ =	shalt  }
0x6e: {  	_ =	shalt  }
0x6f: {  	_ =	shalt  }
0x70: {  	_ =	shalt  }
0x71: {  	_ =	shalt  }
0x72: {  	_ =	shalt  }
0x73: {  	_ =	shalt  }
0x74: {  	_ =	shalt  }
0x75: {  	_ =	shalt  }
0x76: {  	_ =	shalt  }
0x77: {  	_ =	shalt  }
0x78: {  	_ =	shalt  }
0x79: {  	_ =	shalt  }
0x7a: {  	_ =	shalt  }
0x7b: {  	_ =	shalt  }
0x7c: {  	_ =	shalt  }
0x7d: {  	_ =	shalt  }
0x7e: {  	_ =	shalt  }
0x7f: {  	_ =	shalt  }
0x80: {  	_ =	shalt  }
0x81: {  	_ =	shalt  }
0x82: {  	_ =	shalt  }
0x83: {  	_ =	shalt  }
0x84: {  	_ =	shalt  }
0x85: {  	_ =	shalt  }
0x86: {  	_ =	shalt  }
0x87: {  	_ =	shalt  }
.Lfunc_end0:
.L_simem_size_0:
called_computation.1_lowered:
.L_overlay_start_0:
0x88: {  	s2 =	sld [smem:$0x3FD9]  }
0x89: {  	s3 =	sld [smem:$0x3FFE];
	_ =	sdelay $0x1  }
0x8a: {  	s1 =	srdreg.scid  }
0x8b: {  	s0 =	sand.u32 $0x1, s1  }
0x8c: {  	s17 =	sshll.u32 s0, $0xA;
	s2 =	sadd.s32 s3, s2  }
0x8d: {  	s2 =	sadd.s32 s2, s17  }
0x8e: {  	[smem:$0x3FC6] =	sst s2  }
0x8f: {  	_ = 	snop  }
0x90: {  	s2 =	sld [smem:$0x3FD0];
	(tm) =	ssettm $0x1  }
0x91: {  	s18 =	sld [smem:$0x3FFB];
	_ =	sdelay $0x3  }
0x92: {  	_ =	strace s18  }
0x93: {  	s3 =	sld [smem:$0x3FFC];
	_ =	sdelay $0x3  }
0x94: {  	_ =	strace s3  }
0x95: {  	s3 =	sld [smem:$0x3FFD];
	_ =	sdelay $0x3  }
0x96: {  	_ =	strace s3  }
0x97: {  	_ =	strace $0x8FFFFFFF  }
0x98: {  	s19 =	sld [smem:$0x3FDB];
	_ =	sdelay $0x1  }
0x99: {  	s4 =	simm.s32 $_scs_section_size  }
0x9a: {  	s5 =	simm.s32 $_size__tile_overlayer_lowered;
	s6 =	simm.s32 $_tile_overlayer_lowered  }
0x9b: {  	s22 =	simm.s32 $0x1BFF;
	s21 =	sshll.u32 s6, $0x1;
	s3 =	sadd.s32 s4, s19  }
0x9c: {  	s7 =	simm.s32 $0x0;
	s20 =	sshll.u32 s5, $0x1;
	s5 =	sadd.s32 s21, s3  }
0x9d: {  	[timem:s7], [sflag:s22] =	dma.local [hbm:s5], s20  }
0x9e: {  	_ =	swait.ge [sflag:s22], s20  }
0x9f: {  	s4 =	ssub.s32 $0x0, s20;
	[sflag:s22] =	ssyncset.done $0x0  }
0xa0: {  	[sflag:s22] =	ssyncadd.s32 s4;
	_ =	sdelay $0x1  }
0xa1: {  	s23 =	simm.s32 $0x1B8B  }
0xa2: {  	_ =	swait.ge [sflag:s23], $0x1  }
0xa3: {  	[sflag:s23] =	ssyncset.done $0x0  }
0xa4: {  	s25 =	simm.s32 $0x1B8E;
	s24 =	sld [smem:$0x3FFE];
	[sflag:s23] =	ssyncadd.s32 $0xFFFFFFFF  }
0xa5: {  	s26 =	simm.s32 $execute0_lowered;
	[smem:$0x3FD2] =	sst s25  }
0xa6: {  	s5 =	sshll.u32 s26, $0x1;
	_ =	strace $0x80000046;
	[dreg:$0x1] =	wrdreg $0xFFFFFFFF  }
0xa7: {  	s28 =	simm.s32 $_size_execute0_lowered;
	s3 =	sadd.s32 s3, s5;
	[dreg:$0x0] =	wrdreg $0x0  }
0xa8: {  	s5 =	sshll.u32 s28, $0x1;
	[dreg:$0x2] =	wrdreg s3  }
0xa9: {  	[dreg:$0x3] =	wrdreg s5  }
0xaa: {  	[dreg:$0x4] =	wrdreg $0xC0  }
0xab: {  	_ =	task [dreg:s7], $0x5FFFF  }
0xac: {  	[dreg:$0x1] =	wrdreg $0xFFFFFFFF  }
0xad: {  	[dreg:$0x0] =	wrdreg $0x60  }
0xae: {  	[dreg:$0x2] =	wrdreg s24  }
0xaf: {  	[dreg:$0x3] =	wrdreg s2  }
0xb0: {  	[dreg:$0x4] =	wrdreg $0x9  }
0xb1: {  	_ =	task.clear_ibuf [dreg:s7], $0x5FFFF;
	_ =	strace $0x90000046  }
0xb2: {  	s29 =	simm.s32 $0x9;
	_ =	strace $0x80000048  }
0xb3: {  	_ =	swait.ge [sflag:s29], $0x1  }
0xb4: {  	[sflag:s29] =	ssyncadd.s32 $0xFFFFFFFF  }
0xb5: {  	_ =	strace $0x90000048  }
0xb6: {  	_ =	sfence  }
0xb7: {  	s30 =	sld [smem:$0x0];
	_ =	sdelay $0x2  }
0xb8: {  	s31 =	sshll.u32 s1, $0xD;
	s1 =	sshrl.u32 s1, $0x2  }
0xb9: {  	s3 =	sand.u32 $0x4000, s31;
	s1 =	sadd.s32 s1, s30  }
0xba: {  	s0 =	sor.u32 s3, s0;
	s1 =	sshll.u32 s1, $0x11  }
0xbb: {  	s0 =	sor.u32 s1, s0  }
0xbc: {  	s0 =	sadd.s32 $0x8F2B, s0  }
0xbd: {  	[sflag:s0] =	ssyncadd.remote.s32 $0x1  }
0xbe: {  	_ =	sfence.sel $0xFFFF  }
0xbf: {  	[dreg:$0x0] =	wrdreg $0xFFFFFFFF;
	(pc) =	sbr.abs _section_cstart, $3  }
0xc0: {  	[dreg:$0x1] =	wrdreg $0xFFFFFFFF  }
0xc1: {  	_ =	task.clear_ibuf [dreg:s7], $0x2FFFF;
	_ =	strace $0x9FFFFFFF  }
0xc2: {  	(tm) =	ssettm $0x7FFFFFFF  }
0xc3: {  	_ =	shalt  }
tec
execute0_lowered:
.L_overlay_start_1:
0x0: {  	(tag) =	ssettag $0x1  }
0x1: {  	s0 =	srdreg.scid;
	s1 =	rddreg [dreg:$0x0]  }
0x2: {  	s13 =	stileid.u32;
	s12 =	rddreg [dreg:$0x1];
	s2 =	simm.s32 $0x0  }
0x3: {  	s14 =	simm.s32 $0x60;
	s15 =	simm.s32 $0x6400;
	s16 =	simm.s32 $0x68  }
0x4: {  	s17 =	simm.s32 $0x7E00;
	s18 =	simm.s32 $0x1;
	s20 =	simm.s32 $0x9800  }
0x5: {  	s21 =	simm.s32 $0x2;
	s28 =	simm.s32 $0x6;
	s29 =	simm.s32 $0x7  }
0x6: {  	s30 =	simm.s32 $0x8;
	s31 =	simm.s32 $0x0;
	s10 =	smul.u32 $0x320000, s13  }
0x7: {  	s0 =	sand.u32 $0x1, s0;
	s3 =	sshll.u32 s13, $0x8;
	s26 =	smul.u32 $0x64000, s13  }
0x8: {  	[smem:$0x7FF] =	sst s2;
	s4 =	sshll.u32 s0, $0x7;
	s11 =	smul.u32 $0x190000, s0  }
0x9: {  	s5 =	ssub.s32 $0x2, s0;
	s0 =	smul.u32 $0x32000, s0;
	s3 =	sor.u32 s4, s3  }
0xa: {  	_ =	strace $0x80000047;
	s22 =	sshrl.u32 s5, $0x1;
	s4 =	smul.u32 $0x19, s3  }
0xb: {  	s13 =	sadd.s32 s26, s12;
	s6 =	smul.u32 $0x3200, s3;
	s25 =	sadd.s32 s11, s10  }
0xc: {  	s26 =	simm.s32 $0x4;
	s3 =	sadd.s32 $0xF42E00, s1;
	s11 =	sor.u32 $0x7C00, s25  }
0xd: {  	s4 =	sadd.s32 s4, s1;
	s1 =	ssub.s32 s5, s22;
	s23 =	sshrl.u32 s6, $0x3  }
0xe: {  	s11 =	sshrl.u32 s11, $0x3;
	s4 =	sadd.s32 $0xA00, s4;
	s5 =	sadd.s32 s12, s23  }
0xf: {  	s9 =	smax.u32 s1, $0x1;
	s1 =	sor.u32 $0x4A00, s25;
	s10 =	sadd.s32 s11, s12  }
0x10: {  	s11 =	sadd.s32 s0, s13;
	s13 =	simm.s32 $0x9;
	s23 =	simm.s32 $0xB200  }
0x11: {  	s25 =	simm.s32 $0x5;
	[dreg:$0x3] =	wrdreg s4;
	s24 =	sadd.s32 $0x300, s5  }
0x12: {  	s7 =	sadd.s32 $0x319C0, s5;
	s8 =	sadd.s32 $0x31CC0, s5;
	s1 =	sshrl.u32 s1, $0x3  }
0x13: {  	[dreg:$0x4] =	wrdreg s24;
	s12 =	sadd.s32 s1, s12;
	s24 =	simm.s32 $0x3  }
.LBB2_1:
0x14: {  	s0 =	rddreg [dreg:$0x3]  }
0x15: {  	[tilespmem:s2], [sflag:$0x9] =	stream.linear.gather [hbm4b:s0+s2], $0x6400, $0x38;
	[tilespmem:$0xCC00] =	vst v63  }
0x16: {  	_ =	swait.ge [sflag:s13], $0x6400  }
0x17: {  	[sflag:s13] =	ssyncset.done $0x0  }
0x18: {  	[sflag:s13] =	ssyncadd.s32 $0xFFFF9C00  }
0x19: {  	[tilespmem:s15], [sflag:$0x1] =	stream.indirect.gather [hbm4b:s3+s14], $0x40, s2, s14, $0xb8;
	[tilespmem:$0xCC00] =	vst v63  }
0x1a: {  	_ = 	snop  }
0x1b: {  	[tilespmem:s17], [sflag:$0x2] =	stream.indirect.gather [hbm4b:s3+s16], $0x40, s14, s16, $0xb8;
	[tilespmem:$0xCC00] =	vst v63  }
0x1c: {  	_ =	swait.ge [sflag:s18], $0x1800  }
0x1d: {  	[sflag:s18] =	ssyncset.done $0x0  }
0x1e: {  	[sflag:s18] =	ssyncadd.s32 $0xFFFFE800  }
0x1f: {  	[hbm4b:s5+s2] =	stream.linear.scatter [tilespmem:s15], [sflag:$0x5], $0x1800, $0x38;
	[tilespmem:$0xCC00] =	vst v63  }
0x20: {  	s1 =	simm.s32 $0xC8  }
0x21: {  	[tilespmem:s20], [sflag:$0x3] =	stream.indirect.gather [hbm4b:s3+s14], $0x40, s1, s14, $0xb8;
	[tilespmem:$0xCC00] =	vst v63  }
0x22: {  	_ =	swait.ge [sflag:s21], $0x1A00  }
0x23: {  	[sflag:s21] =	ssyncset.done $0x0  }
0x24: {  	s4 =	rddreg [dreg:$0x4];
	[sflag:s21] =	ssyncadd.s32 $0xFFFFE600  }
0x25: {  	[hbm4b:s4+s2] =	stream.linear.scatter [tilespmem:s17], [sflag:$0x6], $0x1A00, $0x38;
	[tilespmem:$0xCC00] =	vst v63  }
0x26: {  	s6 =	simm.s32 $0x128  }
0x27: {  	[tilespmem:s23], [sflag:$0x4] =	stream.indirect.gather [hbm4b:s3+s16], $0x40, s6, s16, $0xb8;
	[tilespmem:$0xCC00] =	vst v63  }
0x28: {  	_ =	swait.ge [sflag:s24], $0x1800  }
0x29: {  	s19 =	sadd.s32 $0x0, s11;
	[sflag:s24] =	ssyncset.done $0x0  }
0x2a: {  	s1 =	sadd.s32 $0x640, s19;
	[sflag:s24] =	ssyncadd.s32 $0xFFFFE800  }
0x2b: {  	[hbm4b:s1+s2] =	stream.linear.scatter [tilespmem:s20], [sflag:$0x7], $0x1800, $0x38;
	[tilespmem:$0xCC00] =	vst v63  }
0x2c: {  	_ =	swait.ge [sflag:s25], $0x1800  }
0x2d: {  	[sflag:s25] =	ssyncset.done $0x0  }
0x2e: {  	s22 =	simm.s32 $0x190;
	[sflag:s25] =	ssyncadd.s32 $0xFFFFE800  }
0x2f: {  	[tilespmem:s15], [sflag:$0x1] =	stream.indirect.gather [hbm4b:s3+s14], $0x40, s22, s14, $0xb8;
	[tilespmem:$0xCC00] =	vst v63  }
0x30: {  	_ =	swait.ge [sflag:s26], $0x1A00  }
0x31: {  	[sflag:s26] =	ssyncset.done $0x0  }
0x32: {  	s4 =	sadd.s32 $0x0, s12;
	[sflag:s26] =	ssyncadd.s32 $0xFFFFE600  }
0x33: {  	[hbm4b:s4+s2] =	stream.linear.scatter [tilespmem:s23], [sflag:$0x8], $0x1A00, $0x38;
	[tilespmem:$0xCC00] =	vst v63  }
0x34: {  	_ =	swait.ge [sflag:s28], $0x1A00  }
0x35: {  	[sflag:s28] =	ssyncset.done $0x0  }
0x36: {  	s6 =	simm.s32 $0x1F0;
	[sflag:s28] =	ssyncadd.s32 $0xFFFFE600  }
0x37: {  	[tilespmem:s17], [sflag:$0x2] =	stream.indirect.gather [hbm4b:s3+s16], $0x40, s6, s16, $0xb8;
	[tilespmem:$0xCC00] =	vst v63  }
0x38: {  	_ =	swait.ge [sflag:s18], $0x1800  }
0x39: {  	[sflag:s18] =	ssyncset.done $0x0  }
0x3a: {  	s0 =	sadd.s32 $0xC80, s19;
	[sflag:s18] =	ssyncadd.s32 $0xFFFFE800  }
0x3b: {  	[hbm4b:s0+s2] =	stream.linear.scatter [tilespmem:s15], [sflag:$0x5], $0x1800, $0x38;
	[tilespmem:$0xCC00] =	vst v63  }
0x3c: {  	_ =	swait.ge [sflag:s29], $0x1800  }
0x3d: {  	[sflag:s29] =	ssyncset.done $0x0  }
0x3e: {  	s19 =	simm.s32 $0x258;
	[sflag:s29] =	ssyncadd.s32 $0xFFFFE800  }
0x3f: {  	[tilespmem:s20], [sflag:$0x3] =	stream.indirect.gather [hbm4b:s3+s14], $0x40, s19, s14, $0xb8;
	[tilespmem:$0xCC00] =	vst v63  }
0x40: {  	_ =	swait.ge [sflag:s21], $0x1A00  }
0x41: {  	[sflag:s21] =	ssyncset.done $0x0  }
0x42: {  	s22 =	sadd.s32 $0x0, s10;
	[sflag:s21] =	ssyncadd.s32 $0xFFFFE600  }
0x43: {  	[hbm4b:s22+s2] =	stream.linear.scatter [tilespmem:s17], [sflag:$0x6], $0x1A00, $0x38;
	[tilespmem:$0xCC00] =	vst v63  }
0x44: {  	_ =	swait.ge [sflag:s30], $0x1A00  }
0x45: {  	s1 =	simm.s32 $0x2B8;
	[sflag:s30] =	ssyncset.done $0x0  }
0x46: {  	s0 =	simm.s32 $0xC80;
	s19 =	simm.s32 $0x448;
	[sflag:s30] =	ssyncadd.s32 $0xFFFFE600  }
.LBB2_2:
0x47: {  	[tilespmem:s23], [sflag:$0x4] =	stream.indirect.gather [hbm4b:s3+s16], $0x40, s1, s16, $0xb8;
	[tilespmem:$0xCC00] =	vst v63  }
0x48: {  	s22 =	smov.u32 s0;
	s1 =	smov.u32 s19  }
0x49: {  	p0 =	sne.s32 s0, $0x30700;
	s0 =	sadd.s32 $0xC80, s0;
	_ =	swait.ge [sflag:s24], $0x1800  }
0x4a: {  	s4 =	sadd.s32 s22, s11;
	[sflag:s24] =	ssyncset.done $0x0  }
0x4b: {  	s6 =	sadd.s32 $0x640, s4;
	[sflag:s24] =	ssyncadd.s32 $0xFFFFE800  }
0x4c: {  	[hbm4b:s6+s2] =	stream.linear.scatter [tilespmem:s20], [sflag:$0x7], $0x1800, $0x38;
	[tilespmem:$0xCC00] =	vst v63  }
0x4d: {  	_ =	swait.ge [sflag:s25], $0x1800  }
0x4e: {  	[sflag:s25] =	ssyncset.done $0x0  }
0x4f: {  	s6 =	sadd.s32 $0xFFFFFED8, s19;
	[sflag:s25] =	ssyncadd.s32 $0xFFFFE800  }
0x50: {  	[tilespmem:s15], [sflag:$0x1] =	stream.indirect.gather [hbm4b:s3+s14], $0x40, s6, s14, $0xb8;
	[tilespmem:$0xCC00] =	vst v63  }
0x51: {  	_ =	swait.ge [sflag:s26], $0x1A00  }
0x52: {  	[sflag:s26] =	ssyncset.done $0x0  }
0x53: {  	s6 =	sadd.s32 s22, s12;
	[sflag:s26] =	ssyncadd.s32 $0xFFFFE600  }
0x54: {  	[hbm4b:s6+s2] =	stream.linear.scatter [tilespmem:s23], [sflag:$0x8], $0x1A00, $0x38;
	[tilespmem:$0xCC00] =	vst v63  }
0x55: {  	_ =	swait.ge [sflag:s28], $0x1A00  }
0x56: {  	[sflag:s28] =	ssyncset.done $0x0  }
0x57: {  	s6 =	sadd.s32 $0xFFFFFF38, s19;
	[sflag:s28] =	ssyncadd.s32 $0xFFFFE600  }
0x58: {  	[tilespmem:s17], [sflag:$0x2] =	stream.indirect.gather [hbm4b:s3+s16], $0x40, s6, s16, $0xb8;
	[tilespmem:$0xCC00] =	vst v63  }
0x59: {  	_ =	swait.ge [sflag:s18], $0x1800  }
0x5a: {  	[sflag:s18] =	ssyncset.done $0x0  }
0x5b: {  	s4 =	sadd.s32 $0xC80, s4;
	[sflag:s18] =	ssyncadd.s32 $0xFFFFE800  }
0x5c: {  	[hbm4b:s4+s2] =	stream.linear.scatter [tilespmem:s15], [sflag:$0x5], $0x1800, $0x38;
	[tilespmem:$0xCC00] =	vst v63  }
0x5d: {  	_ =	swait.ge [sflag:s29], $0x1800  }
0x5e: {  	[sflag:s29] =	ssyncset.done $0x0  }
0x5f: {  	s4 =	sadd.s32 $0xFFFFFFA0, s19;
	[sflag:s29] =	ssyncadd.s32 $0xFFFFE800  }
0x60: {  	[tilespmem:s20], [sflag:$0x3] =	stream.indirect.gather [hbm4b:s3+s14], $0x40, s4, s14, $0xb8;
	[tilespmem:$0xCC00] =	vst v63  }
0x61: {  	_ =	swait.ge [sflag:s21], $0x1A00  }
0x62: {  	[sflag:s21] =	ssyncset.done $0x0  }
.Ltmp0:
0x63: {  	s4 =	sadd.s32 s22, s10;
	[sflag:s21] =	ssyncadd.s32 $0xFFFFE600;
	(pc) =	sbr.rel @p0 .LBB2_2-.Ltmp0, $4  }
0x64: {  	[hbm4b:s4+s2] =	stream.linear.scatter [tilespmem:s17], [sflag:$0x6], $0x1A00, $0x38;
	[tilespmem:$0xCC00] =	vst v63  }
0x65: {  	_ =	swait.ge [sflag:s30], $0x1A00  }
0x66: {  	[sflag:s30] =	ssyncset.done $0x0  }
0x67: {  	s19 =	sadd.s32 $0x190, s19;
	[sflag:s30] =	ssyncadd.s32 $0xFFFFE600  }
0x68: {  	[tilespmem:s23], [sflag:$0x4] =	stream.indirect.gather [hbm4b:s3+s16], $0x40, s1, s16, $0xb8;
	[tilespmem:$0xCC00] =	vst v63  }
0x69: {  	_ =	swait.ge [sflag:s24], $0x1800  }
0x6a: {  	[sflag:s24] =	ssyncset.done $0x0  }
0x6b: {  	[sflag:s24] =	ssyncadd.s32 $0xFFFFE800  }
0x6c: {  	[hbm4b:s7+s2] =	stream.linear.scatter [tilespmem:s20], [sflag:$0x7], $0x1800, $0x38;
	[tilespmem:$0xCC00] =	vst v63  }
0x6d: {  	_ =	swait.ge [sflag:s26], $0x1A00  }
0x6e: {  	[sflag:s26] =	ssyncset.done $0x0  }
0x6f: {  	[sflag:s26] =	ssyncadd.s32 $0xFFFFE600  }
0x70: {  	[hbm4b:s8+s2] =	stream.linear.scatter [tilespmem:s23], [sflag:$0x8], $0x1A00, $0x38;
	[tilespmem:$0xCC00] =	vst v63  }
0x71: {  	_ =	swait.ge [sflag:s25], $0x1800  }
0x72: {  	[sflag:s25] =	ssyncset.done $0x0  }
0x73: {  	[sflag:s25] =	ssyncadd.s32 $0xFFFFE800  }
0x74: {  	_ =	swait.ge [sflag:s28], $0x1A00  }
0x75: {  	[sflag:s28] =	ssyncset.done $0x0  }
0x76: {  	s31 =	sadd.s32 $0x1, s31;
	[sflag:s28] =	ssyncadd.s32 $0xFFFFE600  }
0x77: {  	p0 =	sne.s32 s31, s9;
	_ =	swait.ge [sflag:s29], $0x1800  }
.Ltmp1:
0x78: {  	[sflag:s29] =	ssyncset.done $0x0;
	(pc) =	sbr.rel @p0 .LBB2_1-.Ltmp1, $4  }
0x79: {  	[sflag:s29] =	ssyncadd.s32 $0xFFFFE800  }
0x7a: {  	_ =	swait.ge [sflag:s30], $0x1A00  }
0x7b: {  	[sflag:s30] =	ssyncset.done $0x0  }
0x7c: {  	[sflag:s30] =	ssyncadd.s32 $0xFFFFE600  }
0x7d: {  	_ =	sfence.sel $0x180000  }
0x7e: {  	[bflag:$0x0] =	sbarrier.arrive $0xFFFF  }
0x7f: {  	_ =	strace $0x90000047  }
0x80: {  	s0 =	stileid.u32;
	[bflag:$0x2] =	sbarrier.arrive $0xFFFF  }
0x81: {  	p0 =	sne.s32 s0, $0x0;
	s0 =	rddreg [dreg:$0x2]  }
0x82: {  	s0 =	sadd.s32 @!p0 $0x100000, s0  }
0x83: {  	[sflag:s0] =	ssyncadd.tile.s32 @!p0 $0x1;
	_ =	shalt  }
.Lfunc_end2:
_tile_overlayer_lowered:
.L_overlay_start_2:
0x84: {  	(tag) =	ssettag $0x2  }
0x85: {  	s0 =	rddreg [dreg:$0x0];
	s2 =	stileid.u32  }
0x86: {  	s1 =	rddreg [dreg:$0x1];
	p0 =	sne.s32 s2, $0x0  }
0x87: {  	s3 =	rddreg [dreg:$0x2];
	[bflag:$0x3] =	sbarrier.arrive $0xFFFF;
	s2 =	simm.s32 @!p0 $0x1C09  }
0x88: {  	[timem:s3], [sflag:s2] =	dma.local @!p0 [hbm:s0], s1  }
0x89: {  	s0 =	simm.s32 @!p0 $0x9  }
0x8a: {  	_ =	swait.ge @!p0 [sflag:s0], s1  }
0x8b: {  	s1 =	ssub.s32 @!p0 $0x0, s1;
	[sflag:s0] =	ssyncset.done @!p0 $0x0  }
0x8c: {  	[sflag:s0] =	ssyncadd.s32 @!p0 s1  }
0x8d: {  	[bflag:$0x3] =	sbarrier.arrive $0xFFFF  }
0x8e: {  	_ =	shalt  }

// kernel: sparse-core-data-format-call.cloned.1.call-start
scs
called_computation_lowered:
.L_overlay_start_0:
0x0: {  	s2 =	sld [smem:$0x3FD9]  }
0x1: {  	s3 =	sld [smem:$0x3FFE];
	_ =	sdelay $0x1  }
0x2: {  	s1 =	srdreg.scid  }
0x3: {  	s0 =	sand.u32 $0x1, s1  }
0x4: {  	s18 =	sshll.u32 s0, $0xA;
	s2 =	sadd.s32 s3, s2  }
0x5: {  	s2 =	sadd.s32 s2, s18  }
0x6: {  	[smem:$0x3FC6] =	sst s2  }
0x7: {  	_ = 	snop  }
0x8: {  	s2 =	sld [smem:$0x3FD0];
	(tm) =	ssettm $0x1  }
0x9: {  	s19 =	sld [smem:$0x3FFB];
	_ =	sdelay $0x3  }
0xa: {  	_ =	strace s19  }
0xb: {  	s3 =	sld [smem:$0x3FFC];
	_ =	sdelay $0x3  }
0xc: {  	_ =	strace s3  }
0xd: {  	s3 =	sld [smem:$0x3FFD];
	_ =	sdelay $0x3  }
0xe: {  	_ =	strace s3  }
0xf: {  	_ =	strace $0x8FFFFFFF  }
0x10: {  	s20 =	sld [smem:$0x3FDB];
	_ =	sdelay $0x1  }
0x11: {  	s4 =	simm.s32 $_scs_section_size  }
0x12: {  	s5 =	simm.s32 $_size__tile_overlayer_lowered;
	s6 =	simm.s32 $_tile_overlayer_lowered  }
0x13: {  	s23 =	simm.s32 $0x1BFF;
	s22 =	sshll.u32 s6, $0x1;
	s3 =	sadd.s32 s4, s20  }
0x14: {  	s7 =	simm.s32 $0x0;
	s21 =	sshll.u32 s5, $0x1;
	s5 =	sadd.s32 s22, s3  }
0x15: {  	[timem:s7], [sflag:s23] =	dma.local [hbm:s5], s21  }
0x16: {  	_ =	swait.ge [sflag:s23], s21  }
0x17: {  	s4 =	ssub.s32 $0x0, s21;
	[sflag:s23] =	ssyncset.done $0x0  }
0x18: {  	[sflag:s23] =	ssyncadd.s32 s4;
	_ =	sdelay $0x1  }
0x19: {  	s24 =	simm.s32 $0x1B8B  }
0x1a: {  	_ =	swait.ge [sflag:s24], $0x1  }
0x1b: {  	[sflag:s24] =	ssyncset.done $0x0  }
0x1c: {  	s26 =	simm.s32 $0x1B8E;
	s25 =	sld [smem:$0x3FFE];
	[sflag:s24] =	ssyncadd.s32 $0xFFFFFFFF  }
0x1d: {  	s27 =	simm.s32 $execute0_lowered;
	[smem:$0x3FD2] =	sst s26  }
0x1e: {  	s5 =	sshll.u32 s27, $0x1;
	_ =	strace $0x80000049;
	[dreg:$0x1] =	wrdreg $0xFFFFFFFF  }
0x1f: {  	s28 =	simm.s32 $_size_execute0_lowered;
	s3 =	sadd.s32 s3, s5;
	[dreg:$0x0] =	wrdreg $0x0  }
0x20: {  	s5 =	sshll.u32 s28, $0x1;
	[dreg:$0x2] =	wrdreg s3  }
0x21: {  	[dreg:$0x3] =	wrdreg s5  }
0x22: {  	[dreg:$0x4] =	wrdreg $0xC0  }
0x23: {  	_ =	task [dreg:s7], $0x5FFFF  }
0x24: {  	[dreg:$0x1] =	wrdreg $0xFFFFFFFF  }
0x25: {  	[dreg:$0x0] =	wrdreg $0x60  }
0x26: {  	[dreg:$0x2] =	wrdreg s25  }
0x27: {  	[dreg:$0x3] =	wrdreg s2  }
0x28: {  	[dreg:$0x4] =	wrdreg $0x9  }
0x29: {  	_ =	task.clear_ibuf [dreg:s7], $0x5FFFF;
	_ =	strace $0x90000049  }
0x2a: {  	s29 =	simm.s32 $0x9;
	_ =	strace $0x8000004B  }
0x2b: {  	_ =	swait.ge [sflag:s29], $0x1  }
0x2c: {  	[sflag:s29] =	ssyncadd.s32 $0xFFFFFFFF  }
0x2d: {  	_ =	strace $0x9000004B  }
0x2e: {  	_ =	sfence  }
0x2f: {  	s30 =	sld [smem:$0x0];
	_ =	sdelay $0x2  }
0x30: {  	s31 =	sshll.u32 s1, $0xD;
	s1 =	sshrl.u32 s1, $0x2  }
0x31: {  	s3 =	sand.u32 $0x4000, s31;
	s1 =	sadd.s32 s1, s30  }
0x32: {  	s0 =	sor.u32 s3, s0;
	s1 =	sshll.u32 s1, $0x11  }
0x33: {  	s0 =	sor.u32 s1, s0  }
0x34: {  	s0 =	sadd.s32 $0x8F2B, s0  }
0x35: {  	[sflag:s0] =	ssyncadd.remote.s32 $0x1  }
0x36: {  	_ =	sfence.sel $0xFFFF  }
0x37: {  	[dreg:$0x0] =	wrdreg $0xFFFFFFFF;
	(pc) =	sbr.abs _section_cstart, $3  }
0x38: {  	[dreg:$0x1] =	wrdreg $0xFFFFFFFF  }
0x39: {  	_ =	task.clear_ibuf [dreg:s7], $0x2FFFF;
	_ =	strace $0x9FFFFFFF  }
0x3a: {  	(tm) =	ssettm $0x7FFFFFFF  }
0x3b: {  	_ =	shalt  }
tec
execute0_lowered:
.L_overlay_start_1:
0x0: {  	(tag) =	ssettag $0x1  }
0x1: {  	s0 =	srdreg.scid  }
0x2: {  	s1 =	sshll.u32 s0, $0x4  }
0x3: {  	s0 =	stileid.u32;
	s1 =	sand.u32 $0x10, s1  }
0x4: {  	s1 =	sor.u32 s0, s1  }
0x5: {  	s6 =	rddreg [dreg:$0x0];
	s4 =	simm.s32 $0x1;
	s2 =	sshll.u32 s1, $0x7  }
0x6: {  	s7 =	simm.s32 $0x2;
	s12 =	simm.s32 $0x0;
	s1 =	ssub.s32 $0x1000, s2  }
0x7: {  	s8 =	simm.s32 $0x8000;
	s13 =	simm.s32 $0x0;
	s3 =	sand.u32 $0xF80, s1  }
0x8: {  	s9 =	simm.s32 $0x0;
	s5 =	sshrl.u32 s1, $0xC;
	p0 =	sne.s32 s3, $0x0  }
.Ltmp0:
0x9: {  	s1 =	rddreg [dreg:$0x2];
	s4 =	simm.s32 @!p0 $0x0;
	(pc) =	sbr.rel .LBB1_1-.Ltmp0, $4  }
0xa: {  	s11 =	simm.s32 $0x0;
	s3 =	rddreg [dreg:$0x1];
	s5 =	sadd.s32 s4, s5  }
0xb: {  	_ =	strace $0x8000004A;
	s4 =	simm.s32 $0x1;
	s5 =	smul.u32 $0xC8, s5  }
0xc: {  	s6 =	sadd.s32 $0xA00, s6;
	s10 =	smov.u32 s2;
	[sflag:s4] =	ssyncpa.u1 $0x0  }
0xd: {  	p0 =	por $0x0, $0x0;
	[sflag:s7] =	ssyncpa.u1 $0x0;
	s7 =	sor.u32 $0x1, s5  }
.LBB1_4:
0xe: {  	s16 =	sshll.u32 s13, $0x3;
	s17 =	sand.u32 $0x78, s13  }
0xf: {  	s30 =	sand.u32 $0x7E00, s13;
	s12 =	sshll.u32 s12, $0xF;
	s16 =	sand.u32 $0xC00, s16  }
0x10: {  	[tilespmem:s15+$0x810 ss:$0x81] =	vst.msk $0xffff, v2;
	s31 =	sand.u32 $0x7, s13;
	s16 =	sor.u32 s17, s16;
	s17 =	sadd.s32 s3, s30  }
0x11: {  	[tilespmem:s15+$0x1020 ss:$0x81] =	vst.msk $0xffff, v0;
	s13 =	sshll.u32 s31, $0x12;
	s12 =	sadd.s32 s12, s17;
	s16 =	sshrl.u32 s16, $0x3  }
0x12: {  	[tilespmem:s15+$0x0 ss:$0x81] =	vst.msk $0xffff, v1;
	s13 =	sor.u32 $0x400, s13;
	s12 =	sadd.s32 s16, s12  }
0x13: {  	[hbm4b:s12+s13] =	stream.strided.scatter [tilespmem:s14], [sflag:$0x2], $0x2000, s8, s13, $0x20;
	[tilespmem:$0x8080] =	vst v63  }
.LBB1_5:
0x14: {  	s14 =	sadd.s32 $0x1, s9  }
0x15: {  	s12 =	sadd.s32 $0x1000, s10;
	s16 =	smov.u32 s10;
	p2 =	sgt.s32 s14, $0xC7  }
0x16: {  	s16 =	smov.u32 @p2 s12  }
0x17: {  	s14 =	simm.s32 @p2 $0x0;
	p2 =	sgt.s32 s16, $0xFFF  }
0x18: {  	s16 =	smov.u32 @p2 s2;
	p2 =	sne.s32 s11, s7  }
.Ltmp1:
0x19: {  	p1 =	slt.u32 s11, $0x2;
	(pc) =	sbr.rel @!p2 .LBB1_6-.Ltmp1, $4  }
0x1a: {  	s15 =	simm.s32 @!p1 $0x2  }
0x1b: {  	s13 =	smov.u32 s10;
	p0 =	por !p0, !p0;
	_ =	swait.ge @!p1 [sflag:s15], $0x2000  }
0x1c: {  	s12 =	smov.u32 s9;
	[sflag:s15] =	ssyncset.done @!p1 $0x0;
	s9 =	smov.u32 s14  }
0x1d: {  	s11 =	sadd.s32 $0x1, s11;
	[sflag:s15] =	ssyncadd.s32 @!p1 $0xFFFFE000;
	s10 =	smov.u32 s16  }
.LBB1_1:
0x1e: {  	p1 =	sge.u32 s11, s5  }
0x1f: {  	s14 =	sand.u32 @!p1 $0x1FFFFFF, s9  }
0x20: {  	s15 =	smulhi.u32 @!p1 $0x147AE15, s14;
	_ =	sdelay $0x1  }
0x21: {  	s15 =	smul.u32 @!p1 $0xC8, s15  }
0x22: {  	s16 =	sxor.u32 @!p1 $0xFFFFFFFF, s11;
	s17 =	smul.u32 @!p1 $0xC80, s10  }
0x23: {  	s31 =	sadd.s32 $0xFFFFFFFF, s11;
	s16 =	sshll.u32 @!p1 s16, $0xD;
	s14 =	ssub.s32 @!p1 s14, s15  }
0x24: {  	s15 =	sand.u32 @!p1 $0x2000, s16;
	s16 =	sadd.s32 @!p1 s6, s17;
	s14 =	sshll.u32 @!p1 s14, $0x4  }
0x25: {  	s17 =	simm.s32 @!p1 $0x6400;
	s14 =	sadd.s32 @!p1 s14, s16;
	s16 =	simm.s32 @!p1 $0x40  }
0x26: {  	[tilespmem:s15], [sflag:$0x1] =	stream.strided.gather @!p1 [hbm4b:s14+s16], $0x2000, s17, s16, $0x38;
	[tilespmem:$0x8080] =	vst v63  }
0x27: {  	p1 =	sge.u32 s31, s5  }
.Ltmp2:
0x28: {  	_ = 	snop;
	(pc) =	sbr.rel @p1 .LBB1_5-.Ltmp2, $1  }
0x29: {  	_ =	sdelay $0x3  }
0x2a: {  	s14 =	simm.s32 $0x1  }
0x2b: {  	_ =	swait.ge [sflag:s4], $0x2000;
	s14 =	simm.s32 @!p0 $0x0  }
0x2c: {  	[sflag:s4] =	ssyncset.done $0x0;
	s15 =	sshll.u32 s14, $0xD  }
0x2d: {  	[sflag:s4] =	ssyncadd.s32 $0xFFFFE000;
	s18 =	sor.u32 $0x20, s15  }
0x2e: {  	s14 =	smul.u32 $0x8100, s14;
	v3 =	vld [tilespmem:s18+$0x10]  }
0x2f: {  	s30 =	sand.u32 $0x1, s11;
	v2 =	vld [tilespmem:s18+$0xFFFFFFF0]  }
0x30: {  	s15 =	smul.u32 $0x8100, s30;
	s14 =	sshrl.u32 s14, $0x2;
	v0 =	vld [tilespmem:s18+$0x0]  }
0x31: {  	v1 =	vld [tilespmem:s18+$0xFFFFFFE0];
	s16 =	sor.u32 $0x4000, s14  }
0x32: {  	s31 =	sshrl.u32 s15, $0x2;
	s15 =	sadd.s32 $0x0, s16  }
0x33: {  	s17 =	simm.s32 $0x4;
	s18 =	sadd.s32 $0x40, s18;
	s14 =	sor.u32 $0x4000, s31;
	[tilespmem:s15+$0x1830 ss:$0x81] =	vst.msk $0xffff, v3  }
.LBB1_3:
0x34: {  	v3 =	vld [tilespmem:s18+$0x10];
	p1 =	sne.s32 s17, $0x1FC;
	[tilespmem:s15+$0x810 ss:$0x81] =	vst.msk $0xffff, v2;
	s19 =	smov.u32 s17;
	s17 =	sadd.s32 $0x4, s17  }
.Ltmp3:
0x35: {  	v2 =	vld [tilespmem:s18+$0xFFFFFFF0];
	[tilespmem:s15+$0x1020 ss:$0x81] =	vst.msk $0xffff, v0;
	(pc) =	sbr.rel @p1 .LBB1_3-.Ltmp3, $4  }
0x36: {  	v0 =	vld [tilespmem:s18+$0x0];
	[tilespmem:s15+$0x0 ss:$0x81] =	vst.msk $0xffff, v1  }
0x37: {  	s15 =	sshra.s32 s19, $0x2;
	v1 =	vld [tilespmem:s18+$0xFFFFFFE0]  }
0x38: {  	s15 =	sadd.s32 s15, s16  }
0x39: {  	s18 =	sadd.s32 $0x40, s18;
	[tilespmem:s15+$0x1830 ss:$0x81] =	vst.msk $0xffff, v3  }
.Ltmp4:
0x3a: {  	_ = 	snop;
	(pc) =	sbr.rel .LBB1_4-.Ltmp4, $1  }
0x3b: {  	_ =	sdelay $0x3  }
.LBB1_6:
0x3c: {  	_ =	sfence.sel $0x180000  }
0x3d: {  	s2 =	simm.s32 $0x1;
	[bflag:$0x0] =	sbarrier.arrive $0xFFFF  }
0x3e: {  	s31 =	simm.s32 $0x2;
	[sflag:s2] =	ssyncpa.u1 $0x1  }
0x3f: {  	[sflag:s31] =	ssyncpa.u1 $0x1  }
0x40: {  	p0 =	sne.s32 s0, $0x0;
	_ =	strace $0x9000004A  }
0x41: {  	s0 =	sadd.s32 @!p0 $0x100000, s1;
	[bflag:$0x2] =	sbarrier.arrive $0xFFFF  }
0x42: {  	[sflag:s0] =	ssyncadd.tile.s32 @!p0 $0x1;
	_ =	shalt  }
.Lfunc_end1:
_tile_overlayer_lowered:
.L_overlay_start_2:
0x43: {  	(tag) =	ssettag $0x2  }
0x44: {  	s0 =	rddreg [dreg:$0x0];
	s2 =	stileid.u32  }
0x45: {  	s1 =	rddreg [dreg:$0x1];
	p0 =	sne.s32 s2, $0x0  }
0x46: {  	s3 =	rddreg [dreg:$0x2];
	[bflag:$0x3] =	sbarrier.arrive $0xFFFF;
	s2 =	simm.s32 @!p0 $0x1C01  }
0x47: {  	[timem:s3], [sflag:s2] =	dma.local @!p0 [hbm:s0], s1  }
0x48: {  	s0 =	simm.s32 @!p0 $0x1  }
0x49: {  	_ =	swait.ge @!p0 [sflag:s0], s1  }
0x4a: {  	s1 =	ssub.s32 @!p0 $0x0, s1;
	[sflag:s0] =	ssyncset.done @!p0 $0x0  }
0x4b: {  	[sflag:s0] =	ssyncadd.s32 @!p0 s1  }
0x4c: {  	[bflag:$0x3] =	sbarrier.arrive $0xFFFF  }
0x4d: {  	_ =	shalt  }

</sc_bundles>
